<compile_context>
chip_gen: v7x
topology: tpu7x:2x2x1
jax: 0.10.2.dev20260603
libtpu: 0.0.44.dev20260713+nightly
codegen_flags: <defaults>
</compile_context>

<pallas_src>
import jax
import jax.numpy as jnp
from jax import lax
from jax.experimental import pallas as pl
from jax.experimental.pallas import tpu as pltpu
from jax.experimental.pallas import tpu_sc as plsc

F = 32
B = 16384
NC, NS, L = 2, 16, 16
NW = NC * NS
BPW = B // NW
CH = 8
NCH = BPW // CH


def _body(uij_hbm, xT_hbm, yT_hbm, out_hbm,
          idx_v, bufx, bufy, bufz, out_v, sem):
    wid = lax.axis_index("s") * NC + lax.axis_index("c")
    lane = lax.iota(jnp.int32, L)
    fidx0 = lax.iota(jnp.int32, L)
    fidx1 = fidx0 + L
    pltpu.sync_copy(uij_hbm.at[wid], idx_v)

    def chunk(c, acc):
        iv0 = idx_v[c, pl.ds(0, L)]
        iv1 = idx_v[c, pl.ds(CH, L)]

        def blocks(k):
            u = iv0[k]
            i_ = iv1[k]
            j_ = iv1[CH + k]
            au = pl.multiple_of((u >> 7) * 128, 128)
            ai = pl.multiple_of((i_ >> 7) * 128, 128)
            aj = pl.multiple_of((j_ >> 7) * 128, 128)
            return (
                pltpu.make_async_copy(xT_hbm.at[:, pl.ds(au, 128)], bufx.at[k], sem),
                pltpu.make_async_copy(yT_hbm.at[:, pl.ds(ai, 128)], bufy.at[k], sem),
                pltpu.make_async_copy(yT_hbm.at[:, pl.ds(aj, 128)], bufz.at[k], sem),
            )

        for k in range(CH):
            for cp in blocks(k):
                cp.start()
        for k in range(CH):
            for cp in blocks(k):
                cp.wait()

        for k in range(CH):
            lu = jnp.full((L,), iv0[k] & 127, jnp.int32)
            li = jnp.full((L,), iv1[k] & 127, jnp.int32)
            lj = jnp.full((L,), iv1[CH + k] & 127, jnp.int32)
            bvec = jnp.full((L,), k, jnp.int32)
            p = jnp.zeros((L,), jnp.float32)
            for fidx in (fidx0, fidx1):
                xu = plsc.load_gather(bufx, [bvec, fidx, lu])
                yi = plsc.load_gather(bufy, [bvec, fidx, li])
                yj = plsc.load_gather(bufz, [bvec, fidx, lj])
                p = p + xu * (yi - yj)
            s = jnp.sum(p)
            acc = jnp.where(lane == ((c % 2) * CH + k), s, acc)

        @pl.when(c % 2 == 1)
        def _():
            out_v[pl.ds((c // 2) * L, L)] = acc

        return acc

    lax.fori_loop(0, NCH, chunk, jnp.zeros((L,), jnp.float32))
    pltpu.sync_copy(out_v, out_hbm.at[pl.ds(wid * BPW, BPW)])


def kernel(user, item_i, item_j, x, y):
    mesh = plsc.VectorSubcoreMesh(core_axis_name="c", subcore_axis_name="s",
                                  num_cores=NC, num_subcores=NS)
    run = pl.kernel(
        _body,
        out_type=jax.ShapeDtypeStruct((B,), jnp.float32),
        mesh=mesh,
        compiler_params=pltpu.CompilerParams(needs_layout_passes=False,
                                             use_tc_tiling_on_sc=True),
        scratch_types=[
            pltpu.VMEM((NCH, 3 * CH), jnp.int32),
            pltpu.VMEM((CH, F, 128), jnp.float32),
            pltpu.VMEM((CH, F, 128), jnp.float32),
            pltpu.VMEM((CH, F, 128), jnp.float32),
            pltpu.VMEM((BPW,), jnp.float32),
            pltpu.SemaphoreType.DMA,
        ],
    )
    idx = jnp.stack([user.astype(jnp.int32),
                     item_i.astype(jnp.int32),
                     item_j.astype(jnp.int32)]).reshape(3, NW, NCH, CH)
    uij = jnp.transpose(idx, (1, 2, 0, 3)).reshape(NW, NCH, 3 * CH)
    return run(uij, x.T, y.T)

# --- scband reference (transcript-rebuilt; emitter-appended) ---
"""Pipeline reference for scband-pairwise-matrix-factorization-36575941492810 (READ-ONLY COPY).

The authoritative reference and input builder live on the scoring server;
editing this copy changes nothing except your own understanding.
"""

import jax, jax.numpy as jnp
import numpy as np

USER_FEATURES = 1000000
FACTORS = 32
BATCH = 16384

def setup_inputs(seed: int = 0) -> dict:
    key = jax.random.key(seed)
    ku, ki, kj, kx, ky = jax.random.split(key, 5)
    user = jax.random.randint(ku, (BATCH,), 0, USER_FEATURES, dtype=jnp.int64) if jax.config.jax_enable_x64 else jax.random.randint(ku, (BATCH,), 0, USER_FEATURES)
    item_i = jax.random.randint(ki, (BATCH,), 0, USER_FEATURES)
    item_j = jax.random.randint(kj, (BATCH,), 0, USER_FEATURES)
    x = jax.random.uniform(kx, (USER_FEATURES, FACTORS), minval=-0.01, maxval=0.01, dtype=jnp.float32)
    y = jax.random.uniform(ky, (USER_FEATURES, FACTORS), minval=-0.01, maxval=0.01, dtype=jnp.float32)
    return {"user": user, "item_i": item_i, "item_j": item_j, "x": x, "y": y}

def reference(user, item_i, item_j, x, y):
    # x[user] * y[item_i] - x[user] * y[item_j], summed over factor dim
    xu = jnp.take(x, user, axis=0)
    yi = jnp.take(y, item_i, axis=0)
    yj = jnp.take(y, item_j, axis=0)
    return (xu * yi - xu * yj).sum(axis=1)

if __name__ == "__main__":
    import jax
    _d = setup_inputs()
    print(jax.jit(kernel)(*tuple(_d.values())))

</pallas_src>

<mosaic_0001>
#map = affine_map<(d0, d1) -> (0, 0, 0)>
#map1 = affine_map<(d0, d1) -> (0, 0)>
#map2 = affine_map<(d0, d1) -> (0)>
module attributes {stable_mosaic.version = 14 : i64} {
  func.func @_body(%arg0: i32, %arg1: i32, %arg2: memref<32x64x24xi32, #tpu.memory_space<hbm>>, %arg3: memref<32x1000000xf32, #tpu.memory_space<hbm>>, %arg4: memref<32x1000000xf32, #tpu.memory_space<hbm>>, %arg5: memref<16384xf32, #tpu.memory_space<hbm>>, %arg6: memref<64x24xi32, #tpu.memory_space<vmem>>, %arg7: memref<8x32x128xf32, #tpu.memory_space<vmem>>, %arg8: memref<8x32x128xf32, #tpu.memory_space<vmem>>, %arg9: memref<8x32x128xf32, #tpu.memory_space<vmem>>, %arg10: memref<512xf32, #tpu.memory_space<vmem>>, %arg11: memref<!tpu.dma_semaphore, #tpu.memory_space<semaphore_mem>>) attributes {dimension_semantics = [#tpu.dimension_semantics<core_parallel>, #tpu.dimension_semantics<subcore_parallel>], iteration_bounds = array<i64: 2, 16>, scalar_prefetch = 0 : i64, scratch_operands = 6 : i64, tpu.core_type = #tpu.core_type<sc_vector_subcore>, window_params = [{transform_indices = #map}, {transform_indices = #map1}, {transform_indices = #map1}, {transform_indices = #map2}]} {
    %mul3A = arith.constant 2 : i32
    %mul3A_0 = arith.muli %arg1, %mul3A : i32
    %add3A = arith.addi %mul3A_0, %arg0 : i32
    %iota3A = tpu.iota {dimensions = array<i32: 0>} : vector<16xi32>
    %iota3A_1 = tpu.iota {dimensions = array<i32: 0>} : vector<16xi32>
    %add3A_2 = arith.constant 16 : i32
    %add3A_3 = vector.broadcast %add3A_2 : i32 to vector<16xi32>
    %add3A_4 = arith.addi %iota3A_1, %add3A_3 : vector<16xi32>
    "tpu.region"() ({
      %run_scoped3A = tpu.sem_alloc : memref<!tpu.dma_semaphore, #tpu.memory_space<semaphore_mem>>
      %dma_start3A = arith.constant 0 : i32
      %dma_start3A_13 = arith.constant 0 : i32
      %dma_start3A_14 = tpu.memref_slice %arg2[%add3A, %dma_start3A, %dma_start3A_13] : memref<32x64x24xi32, #tpu.memory_space<hbm>> -> memref<1x64x24xi32, #tpu.memory_space<hbm>>
      %dma_start3A_15 = tpu.memref_squeeze %dma_start3A_14 : memref<1x64x24xi32, #tpu.memory_space<hbm>> -> memref<64x24xi32, #tpu.memory_space<hbm>>
      %dma_start3A_16 = arith.constant 0 : i32
      %dma_start3A_17 = arith.constant 0 : i32
      %dma_start3A_18 = tpu.memref_slice %arg2[%add3A, %dma_start3A_16, %dma_start3A_17] : memref<32x64x24xi32, #tpu.memory_space<hbm>> -> memref<1x64x24xi32, #tpu.memory_space<hbm>>
      %dma_start3A_19 = tpu.memref_squeeze %dma_start3A_18 : memref<1x64x24xi32, #tpu.memory_space<hbm>> -> memref<64x24xi32, #tpu.memory_space<hbm>>
      tpu.enqueue_dma source(%dma_start3A_19 : memref<64x24xi32, #tpu.memory_space<hbm>>) target(%arg6 : memref<64x24xi32, #tpu.memory_space<vmem>>) target_semaphore(%run_scoped3A : memref<!tpu.dma_semaphore, #tpu.memory_space<semaphore_mem>>)
      %dma_wait3A = arith.constant 0 : i32
      %dma_wait3A_20 = arith.constant 0 : i32
      %dma_wait3A_21 = tpu.memref_slice %arg2[%add3A, %dma_wait3A, %dma_wait3A_20] : memref<32x64x24xi32, #tpu.memory_space<hbm>> -> memref<1x64x24xi32, #tpu.memory_space<hbm>>
      %dma_wait3A_22 = tpu.memref_squeeze %dma_wait3A_21 : memref<1x64x24xi32, #tpu.memory_space<hbm>> -> memref<64x24xi32, #tpu.memory_space<hbm>>
      %dma_wait3A_23 = arith.constant 0 : i32
      %dma_wait3A_24 = arith.constant 0 : i32
      %dma_wait3A_25 = tpu.memref_slice %arg2[%add3A, %dma_wait3A_23, %dma_wait3A_24] : memref<32x64x24xi32, #tpu.memory_space<hbm>> -> memref<1x64x24xi32, #tpu.memory_space<hbm>>
      %dma_wait3A_26 = tpu.memref_squeeze %dma_wait3A_25 : memref<1x64x24xi32, #tpu.memory_space<hbm>> -> memref<64x24xi32, #tpu.memory_space<hbm>>
      tpu.wait_dma2 semaphore(%run_scoped3A : memref<!tpu.dma_semaphore, #tpu.memory_space<semaphore_mem>>) src(%dma_wait3A_26 : memref<64x24xi32, #tpu.memory_space<hbm>>) dst(%arg6 : memref<64x24xi32, #tpu.memory_space<vmem>>)
      tpu.yield
    }) : () -> ()
    %broadcast_in_dim3A = arith.constant 0.000000e+00 : f32
    %broadcast_in_dim3A_5 = vector.broadcast %broadcast_in_dim3A : f32 to vector<16xf32>
    %scan3A = arith.constant 0 : i32
    %scan3A_6 = arith.constant 64 : i32
    %scan3A_7 = arith.addi %scan3A, %scan3A_6 : i32
    %scan3A_8 = arith.constant 1 : i32
    %scan3A_9 = scf.for %scan3A_13 = %scan3A to %scan3A_7 step %scan3A_8 iter_args(%scan3A_14 = %broadcast_in_dim3A_5) -> (vector<16xf32>)  : i32 {
      %get3A = arith.index_cast %scan3A_13 : i32 to index
      %get3A_15 = arith.constant 0 : index
      %get3A_16 = tpu.vector_load %arg6[%get3A, %get3A_15] {strides = array<i32>} : memref<64x24xi32, #tpu.memory_space<vmem>>, vector<16xi32>,
      %get3A_17 = arith.index_cast %scan3A_13 : i32 to index
      %get3A_18 = arith.constant 8 : index
      %get3A_19 = tpu.vector_load %arg6[%get3A_17, %get3A_18] {strides = array<i32>} : memref<64x24xi32, #tpu.memory_space<vmem>>, vector<16xi32>,
      %slice3A = vector.extract_strided_slice %get3A_16 {offsets = [0], sizes = [1], strides = [1]} : vector<16xi32> to vector<1xi32>
      %squeeze3A = vector.extract %slice3A[0] : i32 from vector<1xi32>
      %slice3A_20 = vector.extract_strided_slice %get3A_19 {offsets = [0], sizes = [1], strides = [1]} : vector<16xi32> to vector<1xi32>
      %squeeze3A_21 = vector.extract %slice3A_20[0] : i32 from vector<1xi32>
      %slice3A_22 = vector.extract_strided_slice %get3A_19 {offsets = [8], sizes = [1], strides = [1]} : vector<16xi32> to vector<1xi32>
      %squeeze3A_23 = vector.extract %slice3A_22[0] : i32 from vector<1xi32>
      %shift_right_arithmetic3A = arith.constant 7 : i32
      %shift_right_arithmetic3A_24 = arith.shrsi %squeeze3A, %shift_right_arithmetic3A : i32
      %mul3A_25 = arith.constant 128 : i32
      %mul3A_26 = arith.muli %shift_right_arithmetic3A_24, %mul3A_25 : i32
      %multiple_of3A = tpu.assume_multiple %mul3A_26, 128 : i32
      %shift_right_arithmetic3A_27 = arith.constant 7 : i32
      %shift_right_arithmetic3A_28 = arith.shrsi %squeeze3A_21, %shift_right_arithmetic3A_27 : i32
      %mul3A_29 = arith.constant 128 : i32
      %mul3A_30 = arith.muli %shift_right_arithmetic3A_28, %mul3A_29 : i32
      %multiple_of3A_31 = tpu.assume_multiple %mul3A_30, 128 : i32
      %shift_right_arithmetic3A_32 = arith.constant 7 : i32
      %shift_right_arithmetic3A_33 = arith.shrsi %squeeze3A_23, %shift_right_arithmetic3A_32 : i32
      %mul3A_34 = arith.constant 128 : i32
      %mul3A_35 = arith.muli %shift_right_arithmetic3A_33, %mul3A_34 : i32
      %multiple_of3A_36 = tpu.assume_multiple %mul3A_35, 128 : i32
      %dma_start3A = arith.constant 0 : i32
      %dma_start3A_37 = arith.constant 0 : i32
      %dma_start3A_38 = arith.constant 0 : i32
      %dma_start3A_39 = tpu.memref_slice %arg7[%dma_start3A, %dma_start3A_37, %dma_start3A_38] : memref<8x32x128xf32, #tpu.memory_space<vmem>> -> memref<1x32x128xf32, #tpu.memory_space<vmem>>
      %dma_start3A_40 = tpu.memref_squeeze %dma_start3A_39 : memref<1x32x128xf32, #tpu.memory_space<vmem>> -> memref<32x128xf32, #tpu.memory_space<vmem>>
      %dma_start3A_41 = arith.constant 0 : i32
      %dma_start3A_42 = tpu.memref_slice %arg3[%dma_start3A_41, %multiple_of3A] : memref<32x1000000xf32, #tpu.memory_space<hbm>> -> memref<32x128xf32, #tpu.memory_space<hbm>>
      %dma_start3A_43 = arith.constant 0 : i32
      %dma_start3A_44 = arith.constant 0 : i32
      %dma_start3A_45 = tpu.memref_slice %arg7[%dma_start3A, %dma_start3A_43, %dma_start3A_44] : memref<8x32x128xf32, #tpu.memory_space<vmem>> -> memref<1x32x128xf32, #tpu.memory_space<vmem>>
      %dma_start3A_46 = tpu.memref_squeeze %dma_start3A_45 : memref<1x32x128xf32, #tpu.memory_space<vmem>> -> memref<32x128xf32, #tpu.memory_space<vmem>>
      %dma_start3A_47 = arith.constant 0 : i32
      %dma_start3A_48 = tpu.memref_slice %arg3[%dma_start3A_47, %multiple_of3A] : memref<32x1000000xf32, #tpu.memory_space<hbm>> -> memref<32x128xf32, #tpu.memory_space<hbm>>
      tpu.enqueue_dma source(%dma_start3A_48 : memref<32x128xf32, #tpu.memory_space<hbm>>) target(%dma_start3A_46 : memref<32x128xf32, #tpu.memory_space<vmem>>) target_semaphore(%arg11 : memref<!tpu.dma_semaphore, #tpu.memory_space<semaphore_mem>>)
      %dma_start3A_49 = arith.constant 0 : i32
      %dma_start3A_50 = arith.constant 0 : i32
      %dma_start3A_51 = arith.constant 0 : i32
      %dma_start3A_52 = tpu.memref_slice %arg8[%dma_start3A_49, %dma_start3A_50, %dma_start3A_51] : memref<8x32x128xf32, #tpu.memory_space<vmem>> -> memref<1x32x128xf32, #tpu.memory_space<vmem>>
      %dma_start3A_53 = tpu.memref_squeeze %dma_start3A_52 : memref<1x32x128xf32, #tpu.memory_space<vmem>> -> memref<32x128xf32, #tpu.memory_space<vmem>>
      %dma_start3A_54 = arith.constant 0 : i32
      %dma_start3A_55 = tpu.memref_slice %arg4[%dma_start3A_54, %multiple_of3A_31] : memref<32x1000000xf32, #tpu.memory_space<hbm>> -> memref<32x128xf32, #tpu.memory_space<hbm>>
      %dma_start3A_56 = arith.constant 0 : i32
      %dma_start3A_57 = arith.constant 0 : i32
      %dma_start3A_58 = tpu.memref_slice %arg8[%dma_start3A_49, %dma_start3A_56, %dma_start3A_57] : memref<8x32x128xf32, #tpu.memory_space<vmem>> -> memref<1x32x128xf32, #tpu.memory_space<vmem>>
      %dma_start3A_59 = tpu.memref_squeeze %dma_start3A_58 : memref<1x32x128xf32, #tpu.memory_space<vmem>> -> memref<32x128xf32, #tpu.memory_space<vmem>>
      %dma_start3A_60 = arith.constant 0 : i32
      %dma_start3A_61 = tpu.memref_slice %arg4[%dma_start3A_60, %multiple_of3A_31] : memref<32x1000000xf32, #tpu.memory_space<hbm>> -> memref<32x128xf32, #tpu.memory_space<hbm>>
      tpu.enqueue_dma source(%dma_start3A_61 : memref<32x128xf32, #tpu.memory_space<hbm>>) target(%dma_start3A_59 : memref<32x128xf32, #tpu.memory_space<vmem>>) target_semaphore(%arg11 : memref<!tpu.dma_semaphore, #tpu.memory_space<semaphore_mem>>)
      %dma_start3A_62 = arith.constant 0 : i32
      %dma_start3A_63 = arith.constant 0 : i32
      %dma_start3A_64 = arith.constant 0 : i32
      %dma_start3A_65 = tpu.memref_slice %arg9[%dma_start3A_62, %dma_start3A_63, %dma_start3A_64] : memref<8x32x128xf32, #tpu.memory_space<vmem>> -> memref<1x32x128xf32, #tpu.memory_space<vmem>>
      %dma_start3A_66 = tpu.memref_squeeze %dma_start3A_65 : memref<1x32x128xf32, #tpu.memory_space<vmem>> -> memref<32x128xf32, #tpu.memory_space<vmem>>
      %dma_start3A_67 = arith.constant 0 : i32
      %dma_start3A_68 = tpu.memref_slice %arg4[%dma_start3A_67, %multiple_of3A_36] : memref<32x1000000xf32, #tpu.memory_space<hbm>> -> memref<32x128xf32, #tpu.memory_space<hbm>>
      %dma_start3A_69 = arith.constant 0 : i32
      %dma_start3A_70 = arith.constant 0 : i32
      %dma_start3A_71 = tpu.memref_slice %arg9[%dma_start3A_62, %dma_start3A_69, %dma_start3A_70] : memref<8x32x128xf32, #tpu.memory_space<vmem>> -> memref<1x32x128xf32, #tpu.memory_space<vmem>>
      %dma_start3A_72 = tpu.memref_squeeze %dma_start3A_71 : memref<1x32x128xf32, #tpu.memory_space<vmem>> -> memref<32x128xf32, #tpu.memory_space<vmem>>
      %dma_start3A_73 = arith.constant 0 : i32
      %dma_start3A_74 = tpu.memref_slice %arg4[%dma_start3A_73, %multiple_of3A_36] : memref<32x1000000xf32, #tpu.memory_space<hbm>> -> memref<32x128xf32, #tpu.memory_space<hbm>>
      tpu.enqueue_dma source(%dma_start3A_74 : memref<32x128xf32, #tpu.memory_space<hbm>>) target(%dma_start3A_72 : memref<32x128xf32, #tpu.memory_space<vmem>>) target_semaphore(%arg11 : memref<!tpu.dma_semaphore, #tpu.memory_space<semaphore_mem>>)
      %slice3A_75 = vector.extract_strided_slice %get3A_16 {offsets = [1], sizes = [1], strides = [1]} : vector<16xi32> to vector<1xi32>
      %squeeze3A_76 = vector.extract %slice3A_75[0] : i32 from vector<1xi32>
      %slice3A_77 = vector.extract_strided_slice %get3A_19 {offsets = [1], sizes = [1], strides = [1]} : vector<16xi32> to vector<1xi32>
      %squeeze3A_78 = vector.extract %slice3A_77[0] : i32 from vector<1xi32>
      %slice3A_79 = vector.extract_strided_slice %get3A_19 {offsets = [9], sizes = [1], strides = [1]} : vector<16xi32> to vector<1xi32>
      %squeeze3A_80 = vector.extract %slice3A_79[0] : i32 from vector<1xi32>
      %shift_right_arithmetic3A_81 = arith.constant 7 : i32
      %shift_right_arithmetic3A_82 = arith.shrsi %squeeze3A_76, %shift_right_arithmetic3A_81 : i32
      %mul3A_83 = arith.constant 128 : i32
      %mul3A_84 = arith.muli %shift_right_arithmetic3A_82, %mul3A_83 : i32
      %multiple_of3A_85 = tpu.assume_multiple %mul3A_84, 128 : i32
      %shift_right_arithmetic3A_86 = arith.constant 7 : i32
      %shift_right_arithmetic3A_87 = arith.shrsi %squeeze3A_78, %shift_right_arithmetic3A_86 : i32
      %mul3A_88 = arith.constant 128 : i32
      %mul3A_89 = arith.muli %shift_right_arithmetic3A_87, %mul3A_88 : i32
      %multiple_of3A_90 = tpu.assume_multiple %mul3A_89, 128 : i32
      %shift_right_arithmetic3A_91 = arith.constant 7 : i32
      %shift_right_arithmetic3A_92 = arith.shrsi %squeeze3A_80, %shift_right_arithmetic3A_91 : i32
      %mul3A_93 = arith.constant 128 : i32
      %mul3A_94 = arith.muli %shift_right_arithmetic3A_92, %mul3A_93 : i32
      %multiple_of3A_95 = tpu.assume_multiple %mul3A_94, 128 : i32
      %dma_start3A_96 = arith.constant 1 : i32
      %dma_start3A_97 = arith.constant 0 : i32
      %dma_start3A_98 = arith.constant 0 : i32
      %dma_start3A_99 = tpu.memref_slice %arg7[%dma_start3A_96, %dma_start3A_97, %dma_start3A_98] : memref<8x32x128xf32, #tpu.memory_space<vmem>> -> memref<1x32x128xf32, #tpu.memory_space<vmem>>
      %dma_start3A_100 = tpu.memref_squeeze %dma_start3A_99 : memref<1x32x128xf32, #tpu.memory_space<vmem>> -> memref<32x128xf32, #tpu.memory_space<vmem>>
      %dma_start3A_101 = arith.constant 0 : i32
      %dma_start3A_102 = tpu.memref_slice %arg3[%dma_start3A_101, %multiple_of3A_85] : memref<32x1000000xf32, #tpu.memory_space<hbm>> -> memref<32x128xf32, #tpu.memory_space<hbm>>
      %dma_start3A_103 = arith.constant 0 : i32
      %dma_start3A_104 = arith.constant 0 : i32
      %dma_start3A_105 = tpu.memref_slice %arg7[%dma_start3A_96, %dma_start3A_103, %dma_start3A_104] : memref<8x32x128xf32, #tpu.memory_space<vmem>> -> memref<1x32x128xf32, #tpu.memory_space<vmem>>
      %dma_start3A_106 = tpu.memref_squeeze %dma_start3A_105 : memref<1x32x128xf32, #tpu.memory_space<vmem>> -> memref<32x128xf32, #tpu.memory_space<vmem>>
      %dma_start3A_107 = arith.constant 0 : i32
      %dma_start3A_108 = tpu.memref_slice %arg3[%dma_start3A_107, %multiple_of3A_85] : memref<32x1000000xf32, #tpu.memory_space<hbm>> -> memref<32x128xf32, #tpu.memory_space<hbm>>
      tpu.enqueue_dma source(%dma_start3A_108 : memref<32x128xf32, #tpu.memory_space<hbm>>) target(%dma_start3A_106 : memref<32x128xf32, #tpu.memory_space<vmem>>) target_semaphore(%arg11 : memref<!tpu.dma_semaphore, #tpu.memory_space<semaphore_mem>>)
      %dma_start3A_109 = arith.constant 1 : i32
      %dma_start3A_110 = arith.constant 0 : i32
      %dma_start3A_111 = arith.constant 0 : i32
      %dma_start3A_112 = tpu.memref_slice %arg8[%dma_start3A_109, %dma_start3A_110, %dma_start3A_111] : memref<8x32x128xf32, #tpu.memory_space<vmem>> -> memref<1x32x128xf32, #tpu.memory_space<vmem>>
      %dma_start3A_113 = tpu.memref_squeeze %dma_start3A_112 : memref<1x32x128xf32, #tpu.memory_space<vmem>> -> memref<32x128xf32, #tpu.memory_space<vmem>>
      %dma_start3A_114 = arith.constant 0 : i32
      %dma_start3A_115 = tpu.memref_slice %arg4[%dma_start3A_114, %multiple_of3A_90] : memref<32x1000000xf32, #tpu.memory_space<hbm>> -> memref<32x128xf32, #tpu.memory_space<hbm>>
      %dma_start3A_116 = arith.constant 0 : i32
      %dma_start3A_117 = arith.constant 0 : i32
      %dma_start3A_118 = tpu.memref_slice %arg8[%dma_start3A_109, %dma_start3A_116, %dma_start3A_117] : memref<8x32x128xf32, #tpu.memory_space<vmem>> -> memref<1x32x128xf32, #tpu.memory_space<vmem>>
      %dma_start3A_119 = tpu.memref_squeeze %dma_start3A_118 : memref<1x32x128xf32, #tpu.memory_space<vmem>> -> memref<32x128xf32, #tpu.memory_space<vmem>>
      %dma_start3A_120 = arith.constant 0 : i32
      %dma_start3A_121 = tpu.memref_slice %arg4[%dma_start3A_120, %multiple_of3A_90] : memref<32x1000000xf32, #tpu.memory_space<hbm>> -> memref<32x128xf32, #tpu.memory_space<hbm>>
      tpu.enqueue_dma source(%dma_start3A_121 : memref<32x128xf32, #tpu.memory_space<hbm>>) target(%dma_start3A_119 : memref<32x128xf32, #tpu.memory_space<vmem>>) target_semaphore(%arg11 : memref<!tpu.dma_semaphore, #tpu.memory_space<semaphore_mem>>)
      %dma_start3A_122 = arith.constant 1 : i32
      %dma_start3A_123 = arith.constant 0 : i32
      %dma_start3A_124 = arith.constant 0 : i32
      %dma_start3A_125 = tpu.memref_slice %arg9[%dma_start3A_122, %dma_start3A_123, %dma_start3A_124] : memref<8x32x128xf32, #tpu.memory_space<vmem>> -> memref<1x32x128xf32, #tpu.memory_space<vmem>>
      %dma_start3A_126 = tpu.memref_squeeze %dma_start3A_125 : memref<1x32x128xf32, #tpu.memory_space<vmem>> -> memref<32x128xf32, #tpu.memory_space<vmem>>
      %dma_start3A_127 = arith.constant 0 : i32
      %dma_start3A_128 = tpu.memref_slice %arg4[%dma_start3A_127, %multiple_of3A_95] : memref<32x1000000xf32, #tpu.memory_space<hbm>> -> memref<32x128xf32, #tpu.memory_space<hbm>>
      %dma_start3A_129 = arith.constant 0 : i32
      %dma_start3A_130 = arith.constant 0 : i32
      %dma_start3A_131 = tpu.memref_slice %arg9[%dma_start3A_122, %dma_start3A_129, %dma_start3A_130] : memref<8x32x128xf32, #tpu.memory_space<vmem>> -> memref<1x32x128xf32, #tpu.memory_space<vmem>>
      %dma_start3A_132 = tpu.memref_squeeze %dma_start3A_131 : memref<1x32x128xf32, #tpu.memory_space<vmem>> -> memref<32x128xf32, #tpu.memory_space<vmem>>
      %dma_start3A_133 = arith.constant 0 : i32
      %dma_start3A_134 = tpu.memref_slice %arg4[%dma_start3A_133, %multiple_of3A_95] : memref<32x1000000xf32, #tpu.memory_space<hbm>> -> memref<32x128xf32, #tpu.memory_space<hbm>>
      tpu.enqueue_dma source(%dma_start3A_134 : memref<32x128xf32, #tpu.memory_space<hbm>>) target(%dma_start3A_132 : memref<32x128xf32, #tpu.memory_space<vmem>>) target_semaphore(%arg11 : memref<!tpu.dma_semaphore, #tpu.memory_space<semaphore_mem>>)
      %slice3A_135 = vector.extract_strided_slice %get3A_16 {offsets = [2], sizes = [1], strides = [1]} : vector<16xi32> to vector<1xi32>
      %squeeze3A_136 = vector.extract %slice3A_135[0] : i32 from vector<1xi32>
      %slice3A_137 = vector.extract_strided_slice %get3A_19 {offsets = [2], sizes = [1], strides = [1]} : vector<16xi32> to vector<1xi32>
      %squeeze3A_138 = vector.extract %slice3A_137[0] : i32 from vector<1xi32>
      %slice3A_139 = vector.extract_strided_slice %get3A_19 {offsets = [10], sizes = [1], strides = [1]} : vector<16xi32> to vector<1xi32>
      %squeeze3A_140 = vector.extract %slice3A_139[0] : i32 from vector<1xi32>
      %shift_right_arithmetic3A_141 = arith.constant 7 : i32
      %shift_right_arithmetic3A_142 = arith.shrsi %squeeze3A_136, %shift_right_arithmetic3A_141 : i32
      %mul3A_143 = arith.constant 128 : i32
      %mul3A_144 = arith.muli %shift_right_arithmetic3A_142, %mul3A_143 : i32
      %multiple_of3A_145 = tpu.assume_multiple %mul3A_144, 128 : i32
      %shift_right_arithmetic3A_146 = arith.constant 7 : i32
      %shift_right_arithmetic3A_147 = arith.shrsi %squeeze3A_138, %shift_right_arithmetic3A_146 : i32
      %mul3A_148 = arith.constant 128 : i32
      %mul3A_149 = arith.muli %shift_right_arithmetic3A_147, %mul3A_148 : i32
      %multiple_of3A_150 = tpu.assume_multiple %mul3A_149, 128 : i32
      %shift_right_arithmetic3A_151 = arith.constant 7 : i32
      %shift_right_arithmetic3A_152 = arith.shrsi %squeeze3A_140, %shift_right_arithmetic3A_151 : i32
      %mul3A_153 = arith.constant 128 : i32
      %mul3A_154 = arith.muli %shift_right_arithmetic3A_152, %mul3A_153 : i32
      %multiple_of3A_155 = tpu.assume_multiple %mul3A_154, 128 : i32
      %dma_start3A_156 = arith.constant 2 : i32
      %dma_start3A_157 = arith.constant 0 : i32
      %dma_start3A_158 = arith.constant 0 : i32
      %dma_start3A_159 = tpu.memref_slice %arg7[%dma_start3A_156, %dma_start3A_157, %dma_start3A_158] : memref<8x32x128xf32, #tpu.memory_space<vmem>> -> memref<1x32x128xf32, #tpu.memory_space<vmem>>
      %dma_start3A_160 = tpu.memref_squeeze %dma_start3A_159 : memref<1x32x128xf32, #tpu.memory_space<vmem>> -> memref<32x128xf32, #tpu.memory_space<vmem>>
      %dma_start3A_161 = arith.constant 0 : i32
      %dma_start3A_162 = tpu.memref_slice %arg3[%dma_start3A_161, %multiple_of3A_145] : memref<32x1000000xf32, #tpu.memory_space<hbm>> -> memref<32x128xf32, #tpu.memory_space<hbm>>
      %dma_start3A_163 = arith.constant 0 : i32
      %dma_start3A_164 = arith.constant 0 : i32
      %dma_start3A_165 = tpu.memref_slice %arg7[%dma_start3A_156, %dma_start3A_163, %dma_start3A_164] : memref<8x32x128xf32, #tpu.memory_space<vmem>> -> memref<1x32x128xf32, #tpu.memory_space<vmem>>
      %dma_start3A_166 = tpu.memref_squeeze %dma_start3A_165 : memref<1x32x128xf32, #tpu.memory_space<vmem>> -> memref<32x128xf32, #tpu.memory_space<vmem>>
      %dma_start3A_167 = arith.constant 0 : i32
      %dma_start3A_168 = tpu.memref_slice %arg3[%dma_start3A_167, %multiple_of3A_145] : memref<32x1000000xf32, #tpu.memory_space<hbm>> -> memref<32x128xf32, #tpu.memory_space<hbm>>
      tpu.enqueue_dma source(%dma_start3A_168 : memref<32x128xf32, #tpu.memory_space<hbm>>) target(%dma_start3A_166 : memref<32x128xf32, #tpu.memory_space<vmem>>) target_semaphore(%arg11 : memref<!tpu.dma_semaphore, #tpu.memory_space<semaphore_mem>>)
      %dma_start3A_169 = arith.constant 2 : i32
      %dma_start3A_170 = arith.constant 0 : i32
      %dma_start3A_171 = arith.constant 0 : i32
      %dma_start3A_172 = tpu.memref_slice %arg8[%dma_start3A_169, %dma_start3A_170, %dma_start3A_171] : memref<8x32x128xf32, #tpu.memory_space<vmem>> -> memref<1x32x128xf32, #tpu.memory_space<vmem>>
      %dma_start3A_173 = tpu.memref_squeeze %dma_start3A_172 : memref<1x32x128xf32, #tpu.memory_space<vmem>> -> memref<32x128xf32, #tpu.memory_space<vmem>>
      %dma_start3A_174 = arith.constant 0 : i32
      %dma_start3A_175 = tpu.memref_slice %arg4[%dma_start3A_174, %multiple_of3A_150] : memref<32x1000000xf32, #tpu.memory_space<hbm>> -> memref<32x128xf32, #tpu.memory_space<hbm>>
      %dma_start3A_176 = arith.constant 0 : i32
      %dma_start3A_177 = arith.constant 0 : i32
      %dma_start3A_178 = tpu.memref_slice %arg8[%dma_start3A_169, %dma_start3A_176, %dma_start3A_177] : memref<8x32x128xf32, #tpu.memory_space<vmem>> -> memref<1x32x128xf32, #tpu.memory_space<vmem>>
      %dma_start3A_179 = tpu.memref_squeeze %dma_start3A_178 : memref<1x32x128xf32, #tpu.memory_space<vmem>> -> memref<32x128xf32, #tpu.memory_space<vmem>>
      %dma_start3A_180 = arith.constant 0 : i32
      %dma_start3A_181 = tpu.memref_slice %arg4[%dma_start3A_180, %multiple_of3A_150] : memref<32x1000000xf32, #tpu.memory_space<hbm>> -> memref<32x128xf32, #tpu.memory_space<hbm>>
      tpu.enqueue_dma source(%dma_start3A_181 : memref<32x128xf32, #tpu.memory_space<hbm>>) target(%dma_start3A_179 : memref<32x128xf32, #tpu.memory_space<vmem>>) target_semaphore(%arg11 : memref<!tpu.dma_semaphore, #tpu.memory_space<semaphore_mem>>)
      %dma_start3A_182 = arith.constant 2 : i32
      %dma_start3A_183 = arith.constant 0 : i32
      %dma_start3A_184 = arith.constant 0 : i32
      %dma_start3A_185 = tpu.memref_slice %arg9[%dma_start3A_182, %dma_start3A_183, %dma_start3A_184] : memref<8x32x128xf32, #tpu.memory_space<vmem>> -> memref<1x32x128xf32, #tpu.memory_space<vmem>>
      %dma_start3A_186 = tpu.memref_squeeze %dma_start3A_185 : memref<1x32x128xf32, #tpu.memory_space<vmem>> -> memref<32x128xf32, #tpu.memory_space<vmem>>
      %dma_start3A_187 = arith.constant 0 : i32
      %dma_start3A_188 = tpu.memref_slice %arg4[%dma_start3A_187, %multiple_of3A_155] : memref<32x1000000xf32, #tpu.memory_space<hbm>> -> memref<32x128xf32, #tpu.memory_space<hbm>>
      %dma_start3A_189 = arith.constant 0 : i32
      %dma_start3A_190 = arith.constant 0 : i32
      %dma_start3A_191 = tpu.memref_slice %arg9[%dma_start3A_182, %dma_start3A_189, %dma_start3A_190] : memref<8x32x128xf32, #tpu.memory_space<vmem>> -> memref<1x32x128xf32, #tpu.memory_space<vmem>>
      %dma_start3A_192 = tpu.memref_squeeze %dma_start3A_191 : memref<1x32x128xf32, #tpu.memory_space<vmem>> -> memref<32x128xf32, #tpu.memory_space<vmem>>
      %dma_start3A_193 = arith.constant 0 : i32
      %dma_start3A_194 = tpu.memref_slice %arg4[%dma_start3A_193, %multiple_of3A_155] : memref<32x1000000xf32, #tpu.memory_space<hbm>> -> memref<32x128xf32, #tpu.memory_space<hbm>>
      tpu.enqueue_dma source(%dma_start3A_194 : memref<32x128xf32, #tpu.memory_space<hbm>>) target(%dma_start3A_192 : memref<32x128xf32, #tpu.memory_space<vmem>>) target_semaphore(%arg11 : memref<!tpu.dma_semaphore, #tpu.memory_space<semaphore_mem>>)
      %slice3A_195 = vector.extract_strided_slice %get3A_16 {offsets = [3], sizes = [1], strides = [1]} : vector<16xi32> to vector<1xi32>
      %squeeze3A_196 = vector.extract %slice3A_195[0] : i32 from vector<1xi32>
      %slice3A_197 = vector.extract_strided_slice %get3A_19 {offsets = [3], sizes = [1], strides = [1]} : vector<16xi32> to vector<1xi32>
      %squeeze3A_198 = vector.extract %slice3A_197[0] : i32 from vector<1xi32>
      %slice3A_199 = vector.extract_strided_slice %get3A_19 {offsets = [11], sizes = [1], strides = [1]} : vector<16xi32> to vector<1xi32>
      %squeeze3A_200 = vector.extract %slice3A_199[0] : i32 from vector<1xi32>
      %shift_right_arithmetic3A_201 = arith.constant 7 : i32
      %shift_right_arithmetic3A_202 = arith.shrsi %squeeze3A_196, %shift_right_arithmetic3A_201 : i32
      %mul3A_203 = arith.constant 128 : i32
      %mul3A_204 = arith.muli %shift_right_arithmetic3A_202, %mul3A_203 : i32
      %multiple_of3A_205 = tpu.assume_multiple %mul3A_204, 128 : i32
      %shift_right_arithmetic3A_206 = arith.constant 7 : i32
      %shift_right_arithmetic3A_207 = arith.shrsi %squeeze3A_198, %shift_right_arithmetic3A_206 : i32
      %mul3A_208 = arith.constant 128 : i32
      %mul3A_209 = arith.muli %shift_right_arithmetic3A_207, %mul3A_208 : i32
      %multiple_of3A_210 = tpu.assume_multiple %mul3A_209, 128 : i32
      %shift_right_arithmetic3A_211 = arith.constant 7 : i32
      %shift_right_arithmetic3A_212 = arith.shrsi %squeeze3A_200, %shift_right_arithmetic3A_211 : i32
      %mul3A_213 = arith.constant 128 : i32
      %mul3A_214 = arith.muli %shift_right_arithmetic3A_212, %mul3A_213 : i32
      %multiple_of3A_215 = tpu.assume_multiple %mul3A_214, 128 : i32
      %dma_start3A_216 = arith.constant 3 : i32
      %dma_start3A_217 = arith.constant 0 : i32
      %dma_start3A_218 = arith.constant 0 : i32
      %dma_start3A_219 = tpu.memref_slice %arg7[%dma_start3A_216, %dma_start3A_217, %dma_start3A_218] : memref<8x32x128xf32, #tpu.memory_space<vmem>> -> memref<1x32x128xf32, #tpu.memory_space<vmem>>
      %dma_start3A_220 = tpu.memref_squeeze %dma_start3A_219 : memref<1x32x128xf32, #tpu.memory_space<vmem>> -> memref<32x128xf32, #tpu.memory_space<vmem>>
      %dma_start3A_221 = arith.constant 0 : i32
      %dma_start3A_222 = tpu.memref_slice %arg3[%dma_start3A_221, %multiple_of3A_205] : memref<32x1000000xf32, #tpu.memory_space<hbm>> -> memref<32x128xf32, #tpu.memory_space<hbm>>
      %dma_start3A_223 = arith.constant 0 : i32
      %dma_start3A_224 = arith.constant 0 : i32
      %dma_start3A_225 = tpu.memref_slice %arg7[%dma_start3A_216, %dma_start3A_223, %dma_start3A_224] : memref<8x32x128xf32, #tpu.memory_space<vmem>> -> memref<1x32x128xf32, #tpu.memory_space<vmem>>
      %dma_start3A_226 = tpu.memref_squeeze %dma_start3A_225 : memref<1x32x128xf32, #tpu.memory_space<vmem>> -> memref<32x128xf32, #tpu.memory_space<vmem>>
      %dma_start3A_227 = arith.constant 0 : i32
      %dma_start3A_228 = tpu.memref_slice %arg3[%dma_start3A_227, %multiple_of3A_205] : memref<32x1000000xf32, #tpu.memory_space<hbm>> -> memref<32x128xf32, #tpu.memory_space<hbm>>
      tpu.enqueue_dma source(%dma_start3A_228 : memref<32x128xf32, #tpu.memory_space<hbm>>) target(%dma_start3A_226 : memref<32x128xf32, #tpu.memory_space<vmem>>) target_semaphore(%arg11 : memref<!tpu.dma_semaphore, #tpu.memory_space<semaphore_mem>>)
      %dma_start3A_229 = arith.constant 3 : i32
      %dma_start3A_230 = arith.constant 0 : i32
      %dma_start3A_231 = arith.constant 0 : i32
      %dma_start3A_232 = tpu.memref_slice %arg8[%dma_start3A_229, %dma_start3A_230, %dma_start3A_231] : memref<8x32x128xf32, #tpu.memory_space<vmem>> -> memref<1x32x128xf32, #tpu.memory_space<vmem>>
      %dma_start3A_233 = tpu.memref_squeeze %dma_start3A_232 : memref<1x32x128xf32, #tpu.memory_space<vmem>> -> memref<32x128xf32, #tpu.memory_space<vmem>>
      %dma_start3A_234 = arith.constant 0 : i32
      %dma_start3A_235 = tpu.memref_slice %arg4[%dma_start3A_234, %multiple_of3A_210] : memref<32x1000000xf32, #tpu.memory_space<hbm>> -> memref<32x128xf32, #tpu.memory_space<hbm>>
      %dma_start3A_236 = arith.constant 0 : i32
      %dma_start3A_237 = arith.constant 0 : i32
      %dma_start3A_238 = tpu.memref_slice %arg8[%dma_start3A_229, %dma_start3A_236, %dma_start3A_237] : memref<8x32x128xf32, #tpu.memory_space<vmem>> -> memref<1x32x128xf32, #tpu.memory_space<vmem>>
      %dma_start3A_239 = tpu.memref_squeeze %dma_start3A_238 : memref<1x32x128xf32, #tpu.memory_space<vmem>> -> memref<32x128xf32, #tpu.memory_space<vmem>>
      %dma_start3A_240 = arith.constant 0 : i32
      %dma_start3A_241 = tpu.memref_slice %arg4[%dma_start3A_240, %multiple_of3A_210] : memref<32x1000000xf32, #tpu.memory_space<hbm>> -> memref<32x128xf32, #tpu.memory_space<hbm>>
      tpu.enqueue_dma source(%dma_start3A_241 : memref<32x128xf32, #tpu.memory_space<hbm>>) target(%dma_start3A_239 : memref<32x128xf32, #tpu.memory_space<vmem>>) target_semaphore(%arg11 : memref<!tpu.dma_semaphore, #tpu.memory_space<semaphore_mem>>)
      %dma_start3A_242 = arith.constant 3 : i32
      %dma_start3A_243 = arith.constant 0 : i32
      %dma_start3A_244 = arith.constant 0 : i32
      %dma_start3A_245 = tpu.memref_slice %arg9[%dma_start3A_242, %dma_start3A_243, %dma_start3A_244] : memref<8x32x128xf32, #tpu.memory_space<vmem>> -> memref<1x32x128xf32, #tpu.memory_space<vmem>>
      %dma_start3A_246 = tpu.memref_squeeze %dma_start3A_245 : memref<1x32x128xf32, #tpu.memory_space<vmem>> -> memref<32x128xf32, #tpu.memory_space<vmem>>
      %dma_start3A_247 = arith.constant 0 : i32
      %dma_start3A_248 = tpu.memref_slice %arg4[%dma_start3A_247, %multiple_of3A_215] : memref<32x1000000xf32, #tpu.memory_space<hbm>> -> memref<32x128xf32, #tpu.memory_space<hbm>>
      %dma_start3A_249 = arith.constant 0 : i32
      %dma_start3A_250 = arith.constant 0 : i32
      %dma_start3A_251 = tpu.memref_slice %arg9[%dma_start3A_242, %dma_start3A_249, %dma_start3A_250] : memref<8x32x128xf32, #tpu.memory_space<vmem>> -> memref<1x32x128xf32, #tpu.memory_space<vmem>>
      %dma_start3A_252 = tpu.memref_squeeze %dma_start3A_251 : memref<1x32x128xf32, #tpu.memory_space<vmem>> -> memref<32x128xf32, #tpu.memory_space<vmem>>
      %dma_start3A_253 = arith.constant 0 : i32
      %dma_start3A_254 = tpu.memref_slice %arg4[%dma_start3A_253, %multiple_of3A_215] : memref<32x1000000xf32, #tpu.memory_space<hbm>> -> memref<32x128xf32, #tpu.memory_space<hbm>>
      tpu.enqueue_dma source(%dma_start3A_254 : memref<32x128xf32, #tpu.memory_space<hbm>>) target(%dma_start3A_252 : memref<32x128xf32, #tpu.memory_space<vmem>>) target_semaphore(%arg11 : memref<!tpu.dma_semaphore, #tpu.memory_space<semaphore_mem>>)
      %slice3A_255 = vector.extract_strided_slice %get3A_16 {offsets = [4], sizes = [1], strides = [1]} : vector<16xi32> to vector<1xi32>
      %squeeze3A_256 = vector.extract %slice3A_255[0] : i32 from vector<1xi32>
      %slice3A_257 = vector.extract_strided_slice %get3A_19 {offsets = [4], sizes = [1], strides = [1]} : vector<16xi32> to vector<1xi32>
      %squeeze3A_258 = vector.extract %slice3A_257[0] : i32 from vector<1xi32>
      %slice3A_259 = vector.extract_strided_slice %get3A_19 {offsets = [12], sizes = [1], strides = [1]} : vector<16xi32> to vector<1xi32>
      %squeeze3A_260 = vector.extract %slice3A_259[0] : i32 from vector<1xi32>
      %shift_right_arithmetic3A_261 = arith.constant 7 : i32
      %shift_right_arithmetic3A_262 = arith.shrsi %squeeze3A_256, %shift_right_arithmetic3A_261 : i32
      %mul3A_263 = arith.constant 128 : i32
      %mul3A_264 = arith.muli %shift_right_arithmetic3A_262, %mul3A_263 : i32
      %multiple_of3A_265 = tpu.assume_multiple %mul3A_264, 128 : i32
      %shift_right_arithmetic3A_266 = arith.constant 7 : i32
      %shift_right_arithmetic3A_267 = arith.shrsi %squeeze3A_258, %shift_right_arithmetic3A_266 : i32
      %mul3A_268 = arith.constant 128 : i32
      %mul3A_269 = arith.muli %shift_right_arithmetic3A_267, %mul3A_268 : i32
      %multiple_of3A_270 = tpu.assume_multiple %mul3A_269, 128 : i32
      %shift_right_arithmetic3A_271 = arith.constant 7 : i32
      %shift_right_arithmetic3A_272 = arith.shrsi %squeeze3A_260, %shift_right_arithmetic3A_271 : i32
      %mul3A_273 = arith.constant 128 : i32
      %mul3A_274 = arith.muli %shift_right_arithmetic3A_272, %mul3A_273 : i32
      %multiple_of3A_275 = tpu.assume_multiple %mul3A_274, 128 : i32
      %dma_start3A_276 = arith.constant 4 : i32
      %dma_start3A_277 = arith.constant 0 : i32
      %dma_start3A_278 = arith.constant 0 : i32
      %dma_start3A_279 = tpu.memref_slice %arg7[%dma_start3A_276, %dma_start3A_277, %dma_start3A_278] : memref<8x32x128xf32, #tpu.memory_space<vmem>> -> memref<1x32x128xf32, #tpu.memory_space<vmem>>
      %dma_start3A_280 = tpu.memref_squeeze %dma_start3A_279 : memref<1x32x128xf32, #tpu.memory_space<vmem>> -> memref<32x128xf32, #tpu.memory_space<vmem>>
      %dma_start3A_281 = arith.constant 0 : i32
      %dma_start3A_282 = tpu.memref_slice %arg3[%dma_start3A_281, %multiple_of3A_265] : memref<32x1000000xf32, #tpu.memory_space<hbm>> -> memref<32x128xf32, #tpu.memory_space<hbm>>
      %dma_start3A_283 = arith.constant 0 : i32
      %dma_start3A_284 = arith.constant 0 : i32
      %dma_start3A_285 = tpu.memref_slice %arg7[%dma_start3A_276, %dma_start3A_283, %dma_start3A_284] : memref<8x32x128xf32, #tpu.memory_space<vmem>> -> memref<1x32x128xf32, #tpu.memory_space<vmem>>
      %dma_start3A_286 = tpu.memref_squeeze %dma_start3A_285 : memref<1x32x128xf32, #tpu.memory_space<vmem>> -> memref<32x128xf32, #tpu.memory_space<vmem>>
      %dma_start3A_287 = arith.constant 0 : i32
      %dma_start3A_288 = tpu.memref_slice %arg3[%dma_start3A_287, %multiple_of3A_265] : memref<32x1000000xf32, #tpu.memory_space<hbm>> -> memref<32x128xf32, #tpu.memory_space<hbm>>
      tpu.enqueue_dma source(%dma_start3A_288 : memref<32x128xf32, #tpu.memory_space<hbm>>) target(%dma_start3A_286 : memref<32x128xf32, #tpu.memory_space<vmem>>) target_semaphore(%arg11 : memref<!tpu.dma_semaphore, #tpu.memory_space<semaphore_mem>>)
      %dma_start3A_289 = arith.constant 4 : i32
      %dma_start3A_290 = arith.constant 0 : i32
      %dma_start3A_291 = arith.constant 0 : i32
      %dma_start3A_292 = tpu.memref_slice %arg8[%dma_start3A_289, %dma_start3A_290, %dma_start3A_291] : memref<8x32x128xf32, #tpu.memory_space<vmem>> -> memref<1x32x128xf32, #tpu.memory_space<vmem>>
      %dma_start3A_293 = tpu.memref_squeeze %dma_start3A_292 : memref<1x32x128xf32, #tpu.memory_space<vmem>> -> memref<32x128xf32, #tpu.memory_space<vmem>>
      %dma_start3A_294 = arith.constant 0 : i32
      %dma_start3A_295 = tpu.memref_slice %arg4[%dma_start3A_294, %multiple_of3A_270] : memref<32x1000000xf32, #tpu.memory_space<hbm>> -> memref<32x128xf32, #tpu.memory_space<hbm>>
      %dma_start3A_296 = arith.constant 0 : i32
      %dma_start3A_297 = arith.constant 0 : i32
      %dma_start3A_298 = tpu.memref_slice %arg8[%dma_start3A_289, %dma_start3A_296, %dma_start3A_297] : memref<8x32x128xf32, #tpu.memory_space<vmem>> -> memref<1x32x128xf32, #tpu.memory_space<vmem>>
      %dma_start3A_299 = tpu.memref_squeeze %dma_start3A_298 : memref<1x32x128xf32, #tpu.memory_space<vmem>> -> memref<32x128xf32, #tpu.memory_space<vmem>>
      %dma_start3A_300 = arith.constant 0 : i32
      %dma_start3A_301 = tpu.memref_slice %arg4[%dma_start3A_300, %multiple_of3A_270] : memref<32x1000000xf32, #tpu.memory_space<hbm>> -> memref<32x128xf32, #tpu.memory_space<hbm>>
      tpu.enqueue_dma source(%dma_start3A_301 : memref<32x128xf32, #tpu.memory_space<hbm>>) target(%dma_start3A_299 : memref<32x128xf32, #tpu.memory_space<vmem>>) target_semaphore(%arg11 : memref<!tpu.dma_semaphore, #tpu.memory_space<semaphore_mem>>)
      %dma_start3A_302 = arith.constant 4 : i32
      %dma_start3A_303 = arith.constant 0 : i32
      %dma_start3A_304 = arith.constant 0 : i32
      %dma_start3A_305 = tpu.memref_slice %arg9[%dma_start3A_302, %dma_start3A_303, %dma_start3A_304] : memref<8x32x128xf32, #tpu.memory_space<vmem>> -> memref<1x32x128xf32, #tpu.memory_space<vmem>>
      %dma_start3A_306 = tpu.memref_squeeze %dma_start3A_305 : memref<1x32x128xf32, #tpu.memory_space<vmem>> -> memref<32x128xf32, #tpu.memory_space<vmem>>
      %dma_start3A_307 = arith.constant 0 : i32
      %dma_start3A_308 = tpu.memref_slice %arg4[%dma_start3A_307, %multiple_of3A_275] : memref<32x1000000xf32, #tpu.memory_space<hbm>> -> memref<32x128xf32, #tpu.memory_space<hbm>>
      %dma_start3A_309 = arith.constant 0 : i32
      %dma_start3A_310 = arith.constant 0 : i32
      %dma_start3A_311 = tpu.memref_slice %arg9[%dma_start3A_302, %dma_start3A_309, %dma_start3A_310] : memref<8x32x128xf32, #tpu.memory_space<vmem>> -> memref<1x32x128xf32, #tpu.memory_space<vmem>>
      %dma_start3A_312 = tpu.memref_squeeze %dma_start3A_311 : memref<1x32x128xf32, #tpu.memory_space<vmem>> -> memref<32x128xf32, #tpu.memory_space<vmem>>
      %dma_start3A_313 = arith.constant 0 : i32
      %dma_start3A_314 = tpu.memref_slice %arg4[%dma_start3A_313, %multiple_of3A_275] : memref<32x1000000xf32, #tpu.memory_space<hbm>> -> memref<32x128xf32, #tpu.memory_space<hbm>>
      tpu.enqueue_dma source(%dma_start3A_314 : memref<32x128xf32, #tpu.memory_space<hbm>>) target(%dma_start3A_312 : memref<32x128xf32, #tpu.memory_space<vmem>>) target_semaphore(%arg11 : memref<!tpu.dma_semaphore, #tpu.memory_space<semaphore_mem>>)
      %slice3A_315 = vector.extract_strided_slice %get3A_16 {offsets = [5], sizes = [1], strides = [1]} : vector<16xi32> to vector<1xi32>
      %squeeze3A_316 = vector.extract %slice3A_315[0] : i32 from vector<1xi32>
      %slice3A_317 = vector.extract_strided_slice %get3A_19 {offsets = [5], sizes = [1], strides = [1]} : vector<16xi32> to vector<1xi32>
      %squeeze3A_318 = vector.extract %slice3A_317[0] : i32 from vector<1xi32>
      %slice3A_319 = vector.extract_strided_slice %get3A_19 {offsets = [13], sizes = [1], strides = [1]} : vector<16xi32> to vector<1xi32>
      %squeeze3A_320 = vector.extract %slice3A_319[0] : i32 from vector<1xi32>
      %shift_right_arithmetic3A_321 = arith.constant 7 : i32
      %shift_right_arithmetic3A_322 = arith.shrsi %squeeze3A_316, %shift_right_arithmetic3A_321 : i32
      %mul3A_323 = arith.constant 128 : i32
      %mul3A_324 = arith.muli %shift_right_arithmetic3A_322, %mul3A_323 : i32
      %multiple_of3A_325 = tpu.assume_multiple %mul3A_324, 128 : i32
      %shift_right_arithmetic3A_326 = arith.constant 7 : i32
      %shift_right_arithmetic3A_327 = arith.shrsi %squeeze3A_318, %shift_right_arithmetic3A_326 : i32
      %mul3A_328 = arith.constant 128 : i32
      %mul3A_329 = arith.muli %shift_right_arithmetic3A_327, %mul3A_328 : i32
      %multiple_of3A_330 = tpu.assume_multiple %mul3A_329, 128 : i32
      %shift_right_arithmetic3A_331 = arith.constant 7 : i32
      %shift_right_arithmetic3A_332 = arith.shrsi %squeeze3A_320, %shift_right_arithmetic3A_331 : i32
      %mul3A_333 = arith.constant 128 : i32
      %mul3A_334 = arith.muli %shift_right_arithmetic3A_332, %mul3A_333 : i32
      %multiple_of3A_335 = tpu.assume_multiple %mul3A_334, 128 : i32
      %dma_start3A_336 = arith.constant 5 : i32
      %dma_start3A_337 = arith.constant 0 : i32
      %dma_start3A_338 = arith.constant 0 : i32
      %dma_start3A_339 = tpu.memref_slice %arg7[%dma_start3A_336, %dma_start3A_337, %dma_start3A_338] : memref<8x32x128xf32, #tpu.memory_space<vmem>> -> memref<1x32x128xf32, #tpu.memory_space<vmem>>
      %dma_start3A_340 = tpu.memref_squeeze %dma_start3A_339 : memref<1x32x128xf32, #tpu.memory_space<vmem>> -> memref<32x128xf32, #tpu.memory_space<vmem>>
      %dma_start3A_341 = arith.constant 0 : i32
      %dma_start3A_342 = tpu.memref_slice %arg3[%dma_start3A_341, %multiple_of3A_325] : memref<32x1000000xf32, #tpu.memory_space<hbm>> -> memref<32x128xf32, #tpu.memory_space<hbm>>
      %dma_start3A_343 = arith.constant 0 : i32
      %dma_start3A_344 = arith.constant 0 : i32
      %dma_start3A_345 = tpu.memref_slice %arg7[%dma_start3A_336, %dma_start3A_343, %dma_start3A_344] : memref<8x32x128xf32, #tpu.memory_space<vmem>> -> memref<1x32x128xf32, #tpu.memory_space<vmem>>
      %dma_start3A_346 = tpu.memref_squeeze %dma_start3A_345 : memref<1x32x128xf32, #tpu.memory_space<vmem>> -> memref<32x128xf32, #tpu.memory_space<vmem>>
      %dma_start3A_347 = arith.constant 0 : i32
      %dma_start3A_348 = tpu.memref_slice %arg3[%dma_start3A_347, %multiple_of3A_325] : memref<32x1000000xf32, #tpu.memory_space<hbm>> -> memref<32x128xf32, #tpu.memory_space<hbm>>
      tpu.enqueue_dma source(%dma_start3A_348 : memref<32x128xf32, #tpu.memory_space<hbm>>) target(%dma_start3A_346 : memref<32x128xf32, #tpu.memory_space<vmem>>) target_semaphore(%arg11 : memref<!tpu.dma_semaphore, #tpu.memory_space<semaphore_mem>>)
      %dma_start3A_349 = arith.constant 5 : i32
      %dma_start3A_350 = arith.constant 0 : i32
      %dma_start3A_351 = arith.constant 0 : i32
      %dma_start3A_352 = tpu.memref_slice %arg8[%dma_start3A_349, %dma_start3A_350, %dma_start3A_351] : memref<8x32x128xf32, #tpu.memory_space<vmem>> -> memref<1x32x128xf32, #tpu.memory_space<vmem>>
      %dma_start3A_353 = tpu.memref_squeeze %dma_start3A_352 : memref<1x32x128xf32, #tpu.memory_space<vmem>> -> memref<32x128xf32, #tpu.memory_space<vmem>>
      %dma_start3A_354 = arith.constant 0 : i32
      %dma_start3A_355 = tpu.memref_slice %arg4[%dma_start3A_354, %multiple_of3A_330] : memref<32x1000000xf32, #tpu.memory_space<hbm>> -> memref<32x128xf32, #tpu.memory_space<hbm>>
      %dma_start3A_356 = arith.constant 0 : i32
      %dma_start3A_357 = arith.constant 0 : i32
      %dma_start3A_358 = tpu.memref_slice %arg8[%dma_start3A_349, %dma_start3A_356, %dma_start3A_357] : memref<8x32x128xf32, #tpu.memory_space<vmem>> -> memref<1x32x128xf32, #tpu.memory_space<vmem>>
      %dma_start3A_359 = tpu.memref_squeeze %dma_start3A_358 : memref<1x32x128xf32, #tpu.memory_space<vmem>> -> memref<32x128xf32, #tpu.memory_space<vmem>>
      %dma_start3A_360 = arith.constant 0 : i32
      %dma_start3A_361 = tpu.memref_slice %arg4[%dma_start3A_360, %multiple_of3A_330] : memref<32x1000000xf32, #tpu.memory_space<hbm>> -> memref<32x128xf32, #tpu.memory_space<hbm>>
      tpu.enqueue_dma source(%dma_start3A_361 : memref<32x128xf32, #tpu.memory_space<hbm>>) target(%dma_start3A_359 : memref<32x128xf32, #tpu.memory_space<vmem>>) target_semaphore(%arg11 : memref<!tpu.dma_semaphore, #tpu.memory_space<semaphore_mem>>)
      %dma_start3A_362 = arith.constant 5 : i32
      %dma_start3A_363 = arith.constant 0 : i32
      %dma_start3A_364 = arith.constant 0 : i32
      %dma_start3A_365 = tpu.memref_slice %arg9[%dma_start3A_362, %dma_start3A_363, %dma_start3A_364] : memref<8x32x128xf32, #tpu.memory_space<vmem>> -> memref<1x32x128xf32, #tpu.memory_space<vmem>>
      %dma_start3A_366 = tpu.memref_squeeze %dma_start3A_365 : memref<1x32x128xf32, #tpu.memory_space<vmem>> -> memref<32x128xf32, #tpu.memory_space<vmem>>
      %dma_start3A_367 = arith.constant 0 : i32
      %dma_start3A_368 = tpu.memref_slice %arg4[%dma_start3A_367, %multiple_of3A_335] : memref<32x1000000xf32, #tpu.memory_space<hbm>> -> memref<32x128xf32, #tpu.memory_space<hbm>>
      %dma_start3A_369 = arith.constant 0 : i32
      %dma_start3A_370 = arith.constant 0 : i32
      %dma_start3A_371 = tpu.memref_slice %arg9[%dma_start3A_362, %dma_start3A_369, %dma_start3A_370] : memref<8x32x128xf32, #tpu.memory_space<vmem>> -> memref<1x32x128xf32, #tpu.memory_space<vmem>>
      %dma_start3A_372 = tpu.memref_squeeze %dma_start3A_371 : memref<1x32x128xf32, #tpu.memory_space<vmem>> -> memref<32x128xf32, #tpu.memory_space<vmem>>
      %dma_start3A_373 = arith.constant 0 : i32
      %dma_start3A_374 = tpu.memref_slice %arg4[%dma_start3A_373, %multiple_of3A_335] : memref<32x1000000xf32, #tpu.memory_space<hbm>> -> memref<32x128xf32, #tpu.memory_space<hbm>>
      tpu.enqueue_dma source(%dma_start3A_374 : memref<32x128xf32, #tpu.memory_space<hbm>>) target(%dma_start3A_372 : memref<32x128xf32, #tpu.memory_space<vmem>>) target_semaphore(%arg11 : memref<!tpu.dma_semaphore, #tpu.memory_space<semaphore_mem>>)
      %slice3A_375 = vector.extract_strided_slice %get3A_16 {offsets = [6], sizes = [1], strides = [1]} : vector<16xi32> to vector<1xi32>
      %squeeze3A_376 = vector.extract %slice3A_375[0] : i32 from vector<1xi32>
      %slice3A_377 = vector.extract_strided_slice %get3A_19 {offsets = [6], sizes = [1], strides = [1]} : vector<16xi32> to vector<1xi32>
      %squeeze3A_378 = vector.extract %slice3A_377[0] : i32 from vector<1xi32>
      %slice3A_379 = vector.extract_strided_slice %get3A_19 {offsets = [14], sizes = [1], strides = [1]} : vector<16xi32> to vector<1xi32>
      %squeeze3A_380 = vector.extract %slice3A_379[0] : i32 from vector<1xi32>
      %shift_right_arithmetic3A_381 = arith.constant 7 : i32
      %shift_right_arithmetic3A_382 = arith.shrsi %squeeze3A_376, %shift_right_arithmetic3A_381 : i32
      %mul3A_383 = arith.constant 128 : i32
      %mul3A_384 = arith.muli %shift_right_arithmetic3A_382, %mul3A_383 : i32
      %multiple_of3A_385 = tpu.assume_multiple %mul3A_384, 128 : i32
      %shift_right_arithmetic3A_386 = arith.constant 7 : i32
      %shift_right_arithmetic3A_387 = arith.shrsi %squeeze3A_378, %shift_right_arithmetic3A_386 : i32
      %mul3A_388 = arith.constant 128 : i32
      %mul3A_389 = arith.muli %shift_right_arithmetic3A_387, %mul3A_388 : i32
      %multiple_of3A_390 = tpu.assume_multiple %mul3A_389, 128 : i32
      %shift_right_arithmetic3A_391 = arith.constant 7 : i32
      %shift_right_arithmetic3A_392 = arith.shrsi %squeeze3A_380, %shift_right_arithmetic3A_391 : i32
      %mul3A_393 = arith.constant 128 : i32
      %mul3A_394 = arith.muli %shift_right_arithmetic3A_392, %mul3A_393 : i32
      %multiple_of3A_395 = tpu.assume_multiple %mul3A_394, 128 : i32
      %dma_start3A_396 = arith.constant 6 : i32
      %dma_start3A_397 = arith.constant 0 : i32
      %dma_start3A_398 = arith.constant 0 : i32
      %dma_start3A_399 = tpu.memref_slice %arg7[%dma_start3A_396, %dma_start3A_397, %dma_start3A_398] : memref<8x32x128xf32, #tpu.memory_space<vmem>> -> memref<1x32x128xf32, #tpu.memory_space<vmem>>
      %dma_start3A_400 = tpu.memref_squeeze %dma_start3A_399 : memref<1x32x128xf32, #tpu.memory_space<vmem>> -> memref<32x128xf32, #tpu.memory_space<vmem>>
      %dma_start3A_401 = arith.constant 0 : i32
      %dma_start3A_402 = tpu.memref_slice %arg3[%dma_start3A_401, %multiple_of3A_385] : memref<32x1000000xf32, #tpu.memory_space<hbm>> -> memref<32x128xf32, #tpu.memory_space<hbm>>
      %dma_start3A_403 = arith.constant 0 : i32
      %dma_start3A_404 = arith.constant 0 : i32
      %dma_start3A_405 = tpu.memref_slice %arg7[%dma_start3A_396, %dma_start3A_403, %dma_start3A_404] : memref<8x32x128xf32, #tpu.memory_space<vmem>> -> memref<1x32x128xf32, #tpu.memory_space<vmem>>
      %dma_start3A_406 = tpu.memref_squeeze %dma_start3A_405 : memref<1x32x128xf32, #tpu.memory_space<vmem>> -> memref<32x128xf32, #tpu.memory_space<vmem>>
      %dma_start3A_407 = arith.constant 0 : i32
      %dma_start3A_408 = tpu.memref_slice %arg3[%dma_start3A_407, %multiple_of3A_385] : memref<32x1000000xf32, #tpu.memory_space<hbm>> -> memref<32x128xf32, #tpu.memory_space<hbm>>
      tpu.enqueue_dma source(%dma_start3A_408 : memref<32x128xf32, #tpu.memory_space<hbm>>) target(%dma_start3A_406 : memref<32x128xf32, #tpu.memory_space<vmem>>) target_semaphore(%arg11 : memref<!tpu.dma_semaphore, #tpu.memory_space<semaphore_mem>>)
      %dma_start3A_409 = arith.constant 6 : i32
      %dma_start3A_410 = arith.constant 0 : i32
      %dma_start3A_411 = arith.constant 0 : i32
      %dma_start3A_412 = tpu.memref_slice %arg8[%dma_start3A_409, %dma_start3A_410, %dma_start3A_411] : memref<8x32x128xf32, #tpu.memory_space<vmem>> -> memref<1x32x128xf32, #tpu.memory_space<vmem>>
      %dma_start3A_413 = tpu.memref_squeeze %dma_start3A_412 : memref<1x32x128xf32, #tpu.memory_space<vmem>> -> memref<32x128xf32, #tpu.memory_space<vmem>>
      %dma_start3A_414 = arith.constant 0 : i32
      %dma_start3A_415 = tpu.memref_slice %arg4[%dma_start3A_414, %multiple_of3A_390] : memref<32x1000000xf32, #tpu.memory_space<hbm>> -> memref<32x128xf32, #tpu.memory_space<hbm>>
      %dma_start3A_416 = arith.constant 0 : i32
      %dma_start3A_417 = arith.constant 0 : i32
      %dma_start3A_418 = tpu.memref_slice %arg8[%dma_start3A_409, %dma_start3A_416, %dma_start3A_417] : memref<8x32x128xf32, #tpu.memory_space<vmem>> -> memref<1x32x128xf32, #tpu.memory_space<vmem>>
      %dma_start3A_419 = tpu.memref_squeeze %dma_start3A_418 : memref<1x32x128xf32, #tpu.memory_space<vmem>> -> memref<32x128xf32, #tpu.memory_space<vmem>>
      %dma_start3A_420 = arith.constant 0 : i32
      %dma_start3A_421 = tpu.memref_slice %arg4[%dma_start3A_420, %multiple_of3A_390] : memref<32x1000000xf32, #tpu.memory_space<hbm>> -> memref<32x128xf32, #tpu.memory_space<hbm>>
      tpu.enqueue_dma source(%dma_start3A_421 : memref<32x128xf32, #tpu.memory_space<hbm>>) target(%dma_start3A_419 : memref<32x128xf32, #tpu.memory_space<vmem>>) target_semaphore(%arg11 : memref<!tpu.dma_semaphore, #tpu.memory_space<semaphore_mem>>)
      %dma_start3A_422 = arith.constant 6 : i32
      %dma_start3A_423 = arith.constant 0 : i32
      %dma_start3A_424 = arith.constant 0 : i32
      %dma_start3A_425 = tpu.memref_slice %arg9[%dma_start3A_422, %dma_start3A_423, %dma_start3A_424] : memref<8x32x128xf32, #tpu.memory_space<vmem>> -> memref<1x32x128xf32, #tpu.memory_space<vmem>>
      %dma_start3A_426 = tpu.memref_squeeze %dma_start3A_425 : memref<1x32x128xf32, #tpu.memory_space<vmem>> -> memref<32x128xf32, #tpu.memory_space<vmem>>
      %dma_start3A_427 = arith.constant 0 : i32
      %dma_start3A_428 = tpu.memref_slice %arg4[%dma_start3A_427, %multiple_of3A_395] : memref<32x1000000xf32, #tpu.memory_space<hbm>> -> memref<32x128xf32, #tpu.memory_space<hbm>>
      %dma_start3A_429 = arith.constant 0 : i32
      %dma_start3A_430 = arith.constant 0 : i32
      %dma_start3A_431 = tpu.memref_slice %arg9[%dma_start3A_422, %dma_start3A_429, %dma_start3A_430] : memref<8x32x128xf32, #tpu.memory_space<vmem>> -> memref<1x32x128xf32, #tpu.memory_space<vmem>>
      %dma_start3A_432 = tpu.memref_squeeze %dma_start3A_431 : memref<1x32x128xf32, #tpu.memory_space<vmem>> -> memref<32x128xf32, #tpu.memory_space<vmem>>
      %dma_start3A_433 = arith.constant 0 : i32
      %dma_start3A_434 = tpu.memref_slice %arg4[%dma_start3A_433, %multiple_of3A_395] : memref<32x1000000xf32, #tpu.memory_space<hbm>> -> memref<32x128xf32, #tpu.memory_space<hbm>>
      tpu.enqueue_dma source(%dma_start3A_434 : memref<32x128xf32, #tpu.memory_space<hbm>>) target(%dma_start3A_432 : memref<32x128xf32, #tpu.memory_space<vmem>>) target_semaphore(%arg11 : memref<!tpu.dma_semaphore, #tpu.memory_space<semaphore_mem>>)
      %slice3A_435 = vector.extract_strided_slice %get3A_16 {offsets = [7], sizes = [1], strides = [1]} : vector<16xi32> to vector<1xi32>
      %squeeze3A_436 = vector.extract %slice3A_435[0] : i32 from vector<1xi32>
      %slice3A_437 = vector.extract_strided_slice %get3A_19 {offsets = [7], sizes = [1], strides = [1]} : vector<16xi32> to vector<1xi32>
      %squeeze3A_438 = vector.extract %slice3A_437[0] : i32 from vector<1xi32>
      %slice3A_439 = vector.extract_strided_slice %get3A_19 {offsets = [15], sizes = [1], strides = [1]} : vector<16xi32> to vector<1xi32>
      %squeeze3A_440 = vector.extract %slice3A_439[0] : i32 from vector<1xi32>
      %shift_right_arithmetic3A_441 = arith.constant 7 : i32
      %shift_right_arithmetic3A_442 = arith.shrsi %squeeze3A_436, %shift_right_arithmetic3A_441 : i32
      %mul3A_443 = arith.constant 128 : i32
      %mul3A_444 = arith.muli %shift_right_arithmetic3A_442, %mul3A_443 : i32
      %multiple_of3A_445 = tpu.assume_multiple %mul3A_444, 128 : i32
      %shift_right_arithmetic3A_446 = arith.constant 7 : i32
      %shift_right_arithmetic3A_447 = arith.shrsi %squeeze3A_438, %shift_right_arithmetic3A_446 : i32
      %mul3A_448 = arith.constant 128 : i32
      %mul3A_449 = arith.muli %shift_right_arithmetic3A_447, %mul3A_448 : i32
      %multiple_of3A_450 = tpu.assume_multiple %mul3A_449, 128 : i32
      %shift_right_arithmetic3A_451 = arith.constant 7 : i32
      %shift_right_arithmetic3A_452 = arith.shrsi %squeeze3A_440, %shift_right_arithmetic3A_451 : i32
      %mul3A_453 = arith.constant 128 : i32
      %mul3A_454 = arith.muli %shift_right_arithmetic3A_452, %mul3A_453 : i32
      %multiple_of3A_455 = tpu.assume_multiple %mul3A_454, 128 : i32
      %dma_start3A_456 = arith.constant 7 : i32
      %dma_start3A_457 = arith.constant 0 : i32
      %dma_start3A_458 = arith.constant 0 : i32
      %dma_start3A_459 = tpu.memref_slice %arg7[%dma_start3A_456, %dma_start3A_457, %dma_start3A_458] : memref<8x32x128xf32, #tpu.memory_space<vmem>> -> memref<1x32x128xf32, #tpu.memory_space<vmem>>
      %dma_start3A_460 = tpu.memref_squeeze %dma_start3A_459 : memref<1x32x128xf32, #tpu.memory_space<vmem>> -> memref<32x128xf32, #tpu.memory_space<vmem>>
      %dma_start3A_461 = arith.constant 0 : i32
      %dma_start3A_462 = tpu.memref_slice %arg3[%dma_start3A_461, %multiple_of3A_445] : memref<32x1000000xf32, #tpu.memory_space<hbm>> -> memref<32x128xf32, #tpu.memory_space<hbm>>
      %dma_start3A_463 = arith.constant 0 : i32
      %dma_start3A_464 = arith.constant 0 : i32
      %dma_start3A_465 = tpu.memref_slice %arg7[%dma_start3A_456, %dma_start3A_463, %dma_start3A_464] : memref<8x32x128xf32, #tpu.memory_space<vmem>> -> memref<1x32x128xf32, #tpu.memory_space<vmem>>
      %dma_start3A_466 = tpu.memref_squeeze %dma_start3A_465 : memref<1x32x128xf32, #tpu.memory_space<vmem>> -> memref<32x128xf32, #tpu.memory_space<vmem>>
      %dma_start3A_467 = arith.constant 0 : i32
      %dma_start3A_468 = tpu.memref_slice %arg3[%dma_start3A_467, %multiple_of3A_445] : memref<32x1000000xf32, #tpu.memory_space<hbm>> -> memref<32x128xf32, #tpu.memory_space<hbm>>
      tpu.enqueue_dma source(%dma_start3A_468 : memref<32x128xf32, #tpu.memory_space<hbm>>) target(%dma_start3A_466 : memref<32x128xf32, #tpu.memory_space<vmem>>) target_semaphore(%arg11 : memref<!tpu.dma_semaphore, #tpu.memory_space<semaphore_mem>>)
      %dma_start3A_469 = arith.constant 7 : i32
      %dma_start3A_470 = arith.constant 0 : i32
      %dma_start3A_471 = arith.constant 0 : i32
      %dma_start3A_472 = tpu.memref_slice %arg8[%dma_start3A_469, %dma_start3A_470, %dma_start3A_471] : memref<8x32x128xf32, #tpu.memory_space<vmem>> -> memref<1x32x128xf32, #tpu.memory_space<vmem>>
      %dma_start3A_473 = tpu.memref_squeeze %dma_start3A_472 : memref<1x32x128xf32, #tpu.memory_space<vmem>> -> memref<32x128xf32, #tpu.memory_space<vmem>>
      %dma_start3A_474 = arith.constant 0 : i32
      %dma_start3A_475 = tpu.memref_slice %arg4[%dma_start3A_474, %multiple_of3A_450] : memref<32x1000000xf32, #tpu.memory_space<hbm>> -> memref<32x128xf32, #tpu.memory_space<hbm>>
      %dma_start3A_476 = arith.constant 0 : i32
      %dma_start3A_477 = arith.constant 0 : i32
      %dma_start3A_478 = tpu.memref_slice %arg8[%dma_start3A_469, %dma_start3A_476, %dma_start3A_477] : memref<8x32x128xf32, #tpu.memory_space<vmem>> -> memref<1x32x128xf32, #tpu.memory_space<vmem>>
      %dma_start3A_479 = tpu.memref_squeeze %dma_start3A_478 : memref<1x32x128xf32, #tpu.memory_space<vmem>> -> memref<32x128xf32, #tpu.memory_space<vmem>>
      %dma_start3A_480 = arith.constant 0 : i32
      %dma_start3A_481 = tpu.memref_slice %arg4[%dma_start3A_480, %multiple_of3A_450] : memref<32x1000000xf32, #tpu.memory_space<hbm>> -> memref<32x128xf32, #tpu.memory_space<hbm>>
      tpu.enqueue_dma source(%dma_start3A_481 : memref<32x128xf32, #tpu.memory_space<hbm>>) target(%dma_start3A_479 : memref<32x128xf32, #tpu.memory_space<vmem>>) target_semaphore(%arg11 : memref<!tpu.dma_semaphore, #tpu.memory_space<semaphore_mem>>)
      %dma_start3A_482 = arith.constant 7 : i32
      %dma_start3A_483 = arith.constant 0 : i32
      %dma_start3A_484 = arith.constant 0 : i32
      %dma_start3A_485 = tpu.memref_slice %arg9[%dma_start3A_482, %dma_start3A_483, %dma_start3A_484] : memref<8x32x128xf32, #tpu.memory_space<vmem>> -> memref<1x32x128xf32, #tpu.memory_space<vmem>>
      %dma_start3A_486 = tpu.memref_squeeze %dma_start3A_485 : memref<1x32x128xf32, #tpu.memory_space<vmem>> -> memref<32x128xf32, #tpu.memory_space<vmem>>
      %dma_start3A_487 = arith.constant 0 : i32
      %dma_start3A_488 = tpu.memref_slice %arg4[%dma_start3A_487, %multiple_of3A_455] : memref<32x1000000xf32, #tpu.memory_space<hbm>> -> memref<32x128xf32, #tpu.memory_space<hbm>>
      %dma_start3A_489 = arith.constant 0 : i32
      %dma_start3A_490 = arith.constant 0 : i32
      %dma_start3A_491 = tpu.memref_slice %arg9[%dma_start3A_482, %dma_start3A_489, %dma_start3A_490] : memref<8x32x128xf32, #tpu.memory_space<vmem>> -> memref<1x32x128xf32, #tpu.memory_space<vmem>>
      %dma_start3A_492 = tpu.memref_squeeze %dma_start3A_491 : memref<1x32x128xf32, #tpu.memory_space<vmem>> -> memref<32x128xf32, #tpu.memory_space<vmem>>
      %dma_start3A_493 = arith.constant 0 : i32
      %dma_start3A_494 = tpu.memref_slice %arg4[%dma_start3A_493, %multiple_of3A_455] : memref<32x1000000xf32, #tpu.memory_space<hbm>> -> memref<32x128xf32, #tpu.memory_space<hbm>>
      tpu.enqueue_dma source(%dma_start3A_494 : memref<32x128xf32, #tpu.memory_space<hbm>>) target(%dma_start3A_492 : memref<32x128xf32, #tpu.memory_space<vmem>>) target_semaphore(%arg11 : memref<!tpu.dma_semaphore, #tpu.memory_space<semaphore_mem>>)
      %slice3A_495 = vector.extract_strided_slice %get3A_16 {offsets = [0], sizes = [1], strides = [1]} : vector<16xi32> to vector<1xi32>
      %squeeze3A_496 = vector.extract %slice3A_495[0] : i32 from vector<1xi32>
      %slice3A_497 = vector.extract_strided_slice %get3A_19 {offsets = [0], sizes = [1], strides = [1]} : vector<16xi32> to vector<1xi32>
      %squeeze3A_498 = vector.extract %slice3A_497[0] : i32 from vector<1xi32>
      %slice3A_499 = vector.extract_strided_slice %get3A_19 {offsets = [8], sizes = [1], strides = [1]} : vector<16xi32> to vector<1xi32>
      %squeeze3A_500 = vector.extract %slice3A_499[0] : i32 from vector<1xi32>
      %shift_right_arithmetic3A_501 = arith.constant 7 : i32
      %shift_right_arithmetic3A_502 = arith.shrsi %squeeze3A_496, %shift_right_arithmetic3A_501 : i32
      %mul3A_503 = arith.constant 128 : i32
      %mul3A_504 = arith.muli %shift_right_arithmetic3A_502, %mul3A_503 : i32
      %multiple_of3A_505 = tpu.assume_multiple %mul3A_504, 128 : i32
      %shift_right_arithmetic3A_506 = arith.constant 7 : i32
      %shift_right_arithmetic3A_507 = arith.shrsi %squeeze3A_498, %shift_right_arithmetic3A_506 : i32
      %mul3A_508 = arith.constant 128 : i32
      %mul3A_509 = arith.muli %shift_right_arithmetic3A_507, %mul3A_508 : i32
      %multiple_of3A_510 = tpu.assume_multiple %mul3A_509, 128 : i32
      %shift_right_arithmetic3A_511 = arith.constant 7 : i32
      %shift_right_arithmetic3A_512 = arith.shrsi %squeeze3A_500, %shift_right_arithmetic3A_511 : i32
      %mul3A_513 = arith.constant 128 : i32
      %mul3A_514 = arith.muli %shift_right_arithmetic3A_512, %mul3A_513 : i32
      %multiple_of3A_515 = tpu.assume_multiple %mul3A_514, 128 : i32
      %dma_wait3A = arith.constant 0 : i32
      %dma_wait3A_516 = arith.constant 0 : i32
      %dma_wait3A_517 = arith.constant 0 : i32
      %dma_wait3A_518 = tpu.memref_slice %arg7[%dma_wait3A, %dma_wait3A_516, %dma_wait3A_517] : memref<8x32x128xf32, #tpu.memory_space<vmem>> -> memref<1x32x128xf32, #tpu.memory_space<vmem>>
      %dma_wait3A_519 = tpu.memref_squeeze %dma_wait3A_518 : memref<1x32x128xf32, #tpu.memory_space<vmem>> -> memref<32x128xf32, #tpu.memory_space<vmem>>
      %dma_wait3A_520 = arith.constant 0 : i32
      %dma_wait3A_521 = tpu.memref_slice %arg3[%dma_wait3A_520, %multiple_of3A_505] : memref<32x1000000xf32, #tpu.memory_space<hbm>> -> memref<32x128xf32, #tpu.memory_space<hbm>>
      %dma_wait3A_522 = arith.constant 0 : i32
      %dma_wait3A_523 = arith.constant 0 : i32
      %dma_wait3A_524 = tpu.memref_slice %arg7[%dma_wait3A, %dma_wait3A_522, %dma_wait3A_523] : memref<8x32x128xf32, #tpu.memory_space<vmem>> -> memref<1x32x128xf32, #tpu.memory_space<vmem>>
      %dma_wait3A_525 = tpu.memref_squeeze %dma_wait3A_524 : memref<1x32x128xf32, #tpu.memory_space<vmem>> -> memref<32x128xf32, #tpu.memory_space<vmem>>
      %dma_wait3A_526 = arith.constant 0 : i32
      %dma_wait3A_527 = tpu.memref_slice %arg3[%dma_wait3A_526, %multiple_of3A_505] : memref<32x1000000xf32, #tpu.memory_space<hbm>> -> memref<32x128xf32, #tpu.memory_space<hbm>>
      tpu.wait_dma2 semaphore(%arg11 : memref<!tpu.dma_semaphore, #tpu.memory_space<semaphore_mem>>) src(%dma_wait3A_527 : memref<32x128xf32, #tpu.memory_space<hbm>>) dst(%dma_wait3A_525 : memref<32x128xf32, #tpu.memory_space<vmem>>)
      %dma_wait3A_528 = arith.constant 0 : i32
      %dma_wait3A_529 = arith.constant 0 : i32
      %dma_wait3A_530 = arith.constant 0 : i32
      %dma_wait3A_531 = tpu.memref_slice %arg8[%dma_wait3A_528, %dma_wait3A_529, %dma_wait3A_530] : memref<8x32x128xf32, #tpu.memory_space<vmem>> -> memref<1x32x128xf32, #tpu.memory_space<vmem>>
      %dma_wait3A_532 = tpu.memref_squeeze %dma_wait3A_531 : memref<1x32x128xf32, #tpu.memory_space<vmem>> -> memref<32x128xf32, #tpu.memory_space<vmem>>
      %dma_wait3A_533 = arith.constant 0 : i32
      %dma_wait3A_534 = tpu.memref_slice %arg4[%dma_wait3A_533, %multiple_of3A_510] : memref<32x1000000xf32, #tpu.memory_space<hbm>> -> memref<32x128xf32, #tpu.memory_space<hbm>>
      %dma_wait3A_535 = arith.constant 0 : i32
      %dma_wait3A_536 = arith.constant 0 : i32
      %dma_wait3A_537 = tpu.memref_slice %arg8[%dma_wait3A_528, %dma_wait3A_535, %dma_wait3A_536] : memref<8x32x128xf32, #tpu.memory_space<vmem>> -> memref<1x32x128xf32, #tpu.memory_space<vmem>>
      %dma_wait3A_538 = tpu.memref_squeeze %dma_wait3A_537 : memref<1x32x128xf32, #tpu.memory_space<vmem>> -> memref<32x128xf32, #tpu.memory_space<vmem>>
      %dma_wait3A_539 = arith.constant 0 : i32
      %dma_wait3A_540 = tpu.memref_slice %arg4[%dma_wait3A_539, %multiple_of3A_510] : memref<32x1000000xf32, #tpu.memory_space<hbm>> -> memref<32x128xf32, #tpu.memory_space<hbm>>
      tpu.wait_dma2 semaphore(%arg11 : memref<!tpu.dma_semaphore, #tpu.memory_space<semaphore_mem>>) src(%dma_wait3A_540 : memref<32x128xf32, #tpu.memory_space<hbm>>) dst(%dma_wait3A_538 : memref<32x128xf32, #tpu.memory_space<vmem>>)
      %dma_wait3A_541 = arith.constant 0 : i32
      %dma_wait3A_542 = arith.constant 0 : i32
      %dma_wait3A_543 = arith.constant 0 : i32
      %dma_wait3A_544 = tpu.memref_slice %arg9[%dma_wait3A_541, %dma_wait3A_542, %dma_wait3A_543] : memref<8x32x128xf32, #tpu.memory_space<vmem>> -> memref<1x32x128xf32, #tpu.memory_space<vmem>>
      %dma_wait3A_545 = tpu.memref_squeeze %dma_wait3A_544 : memref<1x32x128xf32, #tpu.memory_space<vmem>> -> memref<32x128xf32, #tpu.memory_space<vmem>>
      %dma_wait3A_546 = arith.constant 0 : i32
      %dma_wait3A_547 = tpu.memref_slice %arg4[%dma_wait3A_546, %multiple_of3A_515] : memref<32x1000000xf32, #tpu.memory_space<hbm>> -> memref<32x128xf32, #tpu.memory_space<hbm>>
      %dma_wait3A_548 = arith.constant 0 : i32
      %dma_wait3A_549 = arith.constant 0 : i32
      %dma_wait3A_550 = tpu.memref_slice %arg9[%dma_wait3A_541, %dma_wait3A_548, %dma_wait3A_549] : memref<8x32x128xf32, #tpu.memory_space<vmem>> -> memref<1x32x128xf32, #tpu.memory_space<vmem>>
      %dma_wait3A_551 = tpu.memref_squeeze %dma_wait3A_550 : memref<1x32x128xf32, #tpu.memory_space<vmem>> -> memref<32x128xf32, #tpu.memory_space<vmem>>
      %dma_wait3A_552 = arith.constant 0 : i32
      %dma_wait3A_553 = tpu.memref_slice %arg4[%dma_wait3A_552, %multiple_of3A_515] : memref<32x1000000xf32, #tpu.memory_space<hbm>> -> memref<32x128xf32, #tpu.memory_space<hbm>>
      tpu.wait_dma2 semaphore(%arg11 : memref<!tpu.dma_semaphore, #tpu.memory_space<semaphore_mem>>) src(%dma_wait3A_553 : memref<32x128xf32, #tpu.memory_space<hbm>>) dst(%dma_wait3A_551 : memref<32x128xf32, #tpu.memory_space<vmem>>)
      %slice3A_554 = vector.extract_strided_slice %get3A_16 {offsets = [1], sizes = [1], strides = [1]} : vector<16xi32> to vector<1xi32>
      %squeeze3A_555 = vector.extract %slice3A_554[0] : i32 from vector<1xi32>
      %slice3A_556 = vector.extract_strided_slice %get3A_19 {offsets = [1], sizes = [1], strides = [1]} : vector<16xi32> to vector<1xi32>
      %squeeze3A_557 = vector.extract %slice3A_556[0] : i32 from vector<1xi32>
      %slice3A_558 = vector.extract_strided_slice %get3A_19 {offsets = [9], sizes = [1], strides = [1]} : vector<16xi32> to vector<1xi32>
      %squeeze3A_559 = vector.extract %slice3A_558[0] : i32 from vector<1xi32>
      %shift_right_arithmetic3A_560 = arith.constant 7 : i32
      %shift_right_arithmetic3A_561 = arith.shrsi %squeeze3A_555, %shift_right_arithmetic3A_560 : i32
      %mul3A_562 = arith.constant 128 : i32
      %mul3A_563 = arith.muli %shift_right_arithmetic3A_561, %mul3A_562 : i32
      %multiple_of3A_564 = tpu.assume_multiple %mul3A_563, 128 : i32
      %shift_right_arithmetic3A_565 = arith.constant 7 : i32
      %shift_right_arithmetic3A_566 = arith.shrsi %squeeze3A_557, %shift_right_arithmetic3A_565 : i32
      %mul3A_567 = arith.constant 128 : i32
      %mul3A_568 = arith.muli %shift_right_arithmetic3A_566, %mul3A_567 : i32
      %multiple_of3A_569 = tpu.assume_multiple %mul3A_568, 128 : i32
      %shift_right_arithmetic3A_570 = arith.constant 7 : i32
      %shift_right_arithmetic3A_571 = arith.shrsi %squeeze3A_559, %shift_right_arithmetic3A_570 : i32
      %mul3A_572 = arith.constant 128 : i32
      %mul3A_573 = arith.muli %shift_right_arithmetic3A_571, %mul3A_572 : i32
      %multiple_of3A_574 = tpu.assume_multiple %mul3A_573, 128 : i32
      %dma_wait3A_575 = arith.constant 1 : i32
      %dma_wait3A_576 = arith.constant 0 : i32
      %dma_wait3A_577 = arith.constant 0 : i32
      %dma_wait3A_578 = tpu.memref_slice %arg7[%dma_wait3A_575, %dma_wait3A_576, %dma_wait3A_577] : memref<8x32x128xf32, #tpu.memory_space<vmem>> -> memref<1x32x128xf32, #tpu.memory_space<vmem>>
      %dma_wait3A_579 = tpu.memref_squeeze %dma_wait3A_578 : memref<1x32x128xf32, #tpu.memory_space<vmem>> -> memref<32x128xf32, #tpu.memory_space<vmem>>
      %dma_wait3A_580 = arith.constant 0 : i32
      %dma_wait3A_581 = tpu.memref_slice %arg3[%dma_wait3A_580, %multiple_of3A_564] : memref<32x1000000xf32, #tpu.memory_space<hbm>> -> memref<32x128xf32, #tpu.memory_space<hbm>>
      %dma_wait3A_582 = arith.constant 0 : i32
      %dma_wait3A_583 = arith.constant 0 : i32
      %dma_wait3A_584 = tpu.memref_slice %arg7[%dma_wait3A_575, %dma_wait3A_582, %dma_wait3A_583] : memref<8x32x128xf32, #tpu.memory_space<vmem>> -> memref<1x32x128xf32, #tpu.memory_space<vmem>>
      %dma_wait3A_585 = tpu.memref_squeeze %dma_wait3A_584 : memref<1x32x128xf32, #tpu.memory_space<vmem>> -> memref<32x128xf32, #tpu.memory_space<vmem>>
      %dma_wait3A_586 = arith.constant 0 : i32
      %dma_wait3A_587 = tpu.memref_slice %arg3[%dma_wait3A_586, %multiple_of3A_564] : memref<32x1000000xf32, #tpu.memory_space<hbm>> -> memref<32x128xf32, #tpu.memory_space<hbm>>
      tpu.wait_dma2 semaphore(%arg11 : memref<!tpu.dma_semaphore, #tpu.memory_space<semaphore_mem>>) src(%dma_wait3A_587 : memref<32x128xf32, #tpu.memory_space<hbm>>) dst(%dma_wait3A_585 : memref<32x128xf32, #tpu.memory_space<vmem>>)
      %dma_wait3A_588 = arith.constant 1 : i32
      %dma_wait3A_589 = arith.constant 0 : i32
      %dma_wait3A_590 = arith.constant 0 : i32
      %dma_wait3A_591 = tpu.memref_slice %arg8[%dma_wait3A_588, %dma_wait3A_589, %dma_wait3A_590] : memref<8x32x128xf32, #tpu.memory_space<vmem>> -> memref<1x32x128xf32, #tpu.memory_space<vmem>>
      %dma_wait3A_592 = tpu.memref_squeeze %dma_wait3A_591 : memref<1x32x128xf32, #tpu.memory_space<vmem>> -> memref<32x128xf32, #tpu.memory_space<vmem>>
      %dma_wait3A_593 = arith.constant 0 : i32
      %dma_wait3A_594 = tpu.memref_slice %arg4[%dma_wait3A_593, %multiple_of3A_569] : memref<32x1000000xf32, #tpu.memory_space<hbm>> -> memref<32x128xf32, #tpu.memory_space<hbm>>
      %dma_wait3A_595 = arith.constant 0 : i32
      %dma_wait3A_596 = arith.constant 0 : i32
      %dma_wait3A_597 = tpu.memref_slice %arg8[%dma_wait3A_588, %dma_wait3A_595, %dma_wait3A_596] : memref<8x32x128xf32, #tpu.memory_space<vmem>> -> memref<1x32x128xf32, #tpu.memory_space<vmem>>
      %dma_wait3A_598 = tpu.memref_squeeze %dma_wait3A_597 : memref<1x32x128xf32, #tpu.memory_space<vmem>> -> memref<32x128xf32, #tpu.memory_space<vmem>>
      %dma_wait3A_599 = arith.constant 0 : i32
      %dma_wait3A_600 = tpu.memref_slice %arg4[%dma_wait3A_599, %multiple_of3A_569] : memref<32x1000000xf32, #tpu.memory_space<hbm>> -> memref<32x128xf32, #tpu.memory_space<hbm>>
      tpu.wait_dma2 semaphore(%arg11 : memref<!tpu.dma_semaphore, #tpu.memory_space<semaphore_mem>>) src(%dma_wait3A_600 : memref<32x128xf32, #tpu.memory_space<hbm>>) dst(%dma_wait3A_598 : memref<32x128xf32, #tpu.memory_space<vmem>>)
      %dma_wait3A_601 = arith.constant 1 : i32
      %dma_wait3A_602 = arith.constant 0 : i32
      %dma_wait3A_603 = arith.constant 0 : i32
      %dma_wait3A_604 = tpu.memref_slice %arg9[%dma_wait3A_601, %dma_wait3A_602, %dma_wait3A_603] : memref<8x32x128xf32, #tpu.memory_space<vmem>> -> memref<1x32x128xf32, #tpu.memory_space<vmem>>
      %dma_wait3A_605 = tpu.memref_squeeze %dma_wait3A_604 : memref<1x32x128xf32, #tpu.memory_space<vmem>> -> memref<32x128xf32, #tpu.memory_space<vmem>>
      %dma_wait3A_606 = arith.constant 0 : i32
      %dma_wait3A_607 = tpu.memref_slice %arg4[%dma_wait3A_606, %multiple_of3A_574] : memref<32x1000000xf32, #tpu.memory_space<hbm>> -> memref<32x128xf32, #tpu.memory_space<hbm>>
      %dma_wait3A_608 = arith.constant 0 : i32
      %dma_wait3A_609 = arith.constant 0 : i32
      %dma_wait3A_610 = tpu.memref_slice %arg9[%dma_wait3A_601, %dma_wait3A_608, %dma_wait3A_609] : memref<8x32x128xf32, #tpu.memory_space<vmem>> -> memref<1x32x128xf32, #tpu.memory_space<vmem>>
      %dma_wait3A_611 = tpu.memref_squeeze %dma_wait3A_610 : memref<1x32x128xf32, #tpu.memory_space<vmem>> -> memref<32x128xf32, #tpu.memory_space<vmem>>
      %dma_wait3A_612 = arith.constant 0 : i32
      %dma_wait3A_613 = tpu.memref_slice %arg4[%dma_wait3A_612, %multiple_of3A_574] : memref<32x1000000xf32, #tpu.memory_space<hbm>> -> memref<32x128xf32, #tpu.memory_space<hbm>>
      tpu.wait_dma2 semaphore(%arg11 : memref<!tpu.dma_semaphore, #tpu.memory_space<semaphore_mem>>) src(%dma_wait3A_613 : memref<32x128xf32, #tpu.memory_space<hbm>>) dst(%dma_wait3A_611 : memref<32x128xf32, #tpu.memory_space<vmem>>)
      %slice3A_614 = vector.extract_strided_slice %get3A_16 {offsets = [2], sizes = [1], strides = [1]} : vector<16xi32> to vector<1xi32>
      %squeeze3A_615 = vector.extract %slice3A_614[0] : i32 from vector<1xi32>
      %slice3A_616 = vector.extract_strided_slice %get3A_19 {offsets = [2], sizes = [1], strides = [1]} : vector<16xi32> to vector<1xi32>
      %squeeze3A_617 = vector.extract %slice3A_616[0] : i32 from vector<1xi32>
      %slice3A_618 = vector.extract_strided_slice %get3A_19 {offsets = [10], sizes = [1], strides = [1]} : vector<16xi32> to vector<1xi32>
      %squeeze3A_619 = vector.extract %slice3A_618[0] : i32 from vector<1xi32>
      %shift_right_arithmetic3A_620 = arith.constant 7 : i32
      %shift_right_arithmetic3A_621 = arith.shrsi %squeeze3A_615, %shift_right_arithmetic3A_620 : i32
      %mul3A_622 = arith.constant 128 : i32
      %mul3A_623 = arith.muli %shift_right_arithmetic3A_621, %mul3A_622 : i32
      %multiple_of3A_624 = tpu.assume_multiple %mul3A_623, 128 : i32
      %shift_right_arithmetic3A_625 = arith.constant 7 : i32
      %shift_right_arithmetic3A_626 = arith.shrsi %squeeze3A_617, %shift_right_arithmetic3A_625 : i32
      %mul3A_627 = arith.constant 128 : i32
      %mul3A_628 = arith.muli %shift_right_arithmetic3A_626, %mul3A_627 : i32
      %multiple_of3A_629 = tpu.assume_multiple %mul3A_628, 128 : i32
      %shift_right_arithmetic3A_630 = arith.constant 7 : i32
      %shift_right_arithmetic3A_631 = arith.shrsi %squeeze3A_619, %shift_right_arithmetic3A_630 : i32
      %mul3A_632 = arith.constant 128 : i32
      %mul3A_633 = arith.muli %shift_right_arithmetic3A_631, %mul3A_632 : i32
      %multiple_of3A_634 = tpu.assume_multiple %mul3A_633, 128 : i32
      %dma_wait3A_635 = arith.constant 2 : i32
      %dma_wait3A_636 = arith.constant 0 : i32
      %dma_wait3A_637 = arith.constant 0 : i32
      %dma_wait3A_638 = tpu.memref_slice %arg7[%dma_wait3A_635, %dma_wait3A_636, %dma_wait3A_637] : memref<8x32x128xf32, #tpu.memory_space<vmem>> -> memref<1x32x128xf32, #tpu.memory_space<vmem>>
      %dma_wait3A_639 = tpu.memref_squeeze %dma_wait3A_638 : memref<1x32x128xf32, #tpu.memory_space<vmem>> -> memref<32x128xf32, #tpu.memory_space<vmem>>
      %dma_wait3A_640 = arith.constant 0 : i32
      %dma_wait3A_641 = tpu.memref_slice %arg3[%dma_wait3A_640, %multiple_of3A_624] : memref<32x1000000xf32, #tpu.memory_space<hbm>> -> memref<32x128xf32, #tpu.memory_space<hbm>>
      %dma_wait3A_642 = arith.constant 0 : i32
      %dma_wait3A_643 = arith.constant 0 : i32
      %dma_wait3A_644 = tpu.memref_slice %arg7[%dma_wait3A_635, %dma_wait3A_642, %dma_wait3A_643] : memref<8x32x128xf32, #tpu.memory_space<vmem>> -> memref<1x32x128xf32, #tpu.memory_space<vmem>>
      %dma_wait3A_645 = tpu.memref_squeeze %dma_wait3A_644 : memref<1x32x128xf32, #tpu.memory_space<vmem>> -> memref<32x128xf32, #tpu.memory_space<vmem>>
      %dma_wait3A_646 = arith.constant 0 : i32
      %dma_wait3A_647 = tpu.memref_slice %arg3[%dma_wait3A_646, %multiple_of3A_624] : memref<32x1000000xf32, #tpu.memory_space<hbm>> -> memref<32x128xf32, #tpu.memory_space<hbm>>
      tpu.wait_dma2 semaphore(%arg11 : memref<!tpu.dma_semaphore, #tpu.memory_space<semaphore_mem>>) src(%dma_wait3A_647 : memref<32x128xf32, #tpu.memory_space<hbm>>) dst(%dma_wait3A_645 : memref<32x128xf32, #tpu.memory_space<vmem>>)
      %dma_wait3A_648 = arith.constant 2 : i32
      %dma_wait3A_649 = arith.constant 0 : i32
      %dma_wait3A_650 = arith.constant 0 : i32
      %dma_wait3A_651 = tpu.memref_slice %arg8[%dma_wait3A_648, %dma_wait3A_649, %dma_wait3A_650] : memref<8x32x128xf32, #tpu.memory_space<vmem>> -> memref<1x32x128xf32, #tpu.memory_space<vmem>>
      %dma_wait3A_652 = tpu.memref_squeeze %dma_wait3A_651 : memref<1x32x128xf32, #tpu.memory_space<vmem>> -> memref<32x128xf32, #tpu.memory_space<vmem>>
      %dma_wait3A_653 = arith.constant 0 : i32
      %dma_wait3A_654 = tpu.memref_slice %arg4[%dma_wait3A_653, %multiple_of3A_629] : memref<32x1000000xf32, #tpu.memory_space<hbm>> -> memref<32x128xf32, #tpu.memory_space<hbm>>
      %dma_wait3A_655 = arith.constant 0 : i32
      %dma_wait3A_656 = arith.constant 0 : i32
      %dma_wait3A_657 = tpu.memref_slice %arg8[%dma_wait3A_648, %dma_wait3A_655, %dma_wait3A_656] : memref<8x32x128xf32, #tpu.memory_space<vmem>> -> memref<1x32x128xf32, #tpu.memory_space<vmem>>
      %dma_wait3A_658 = tpu.memref_squeeze %dma_wait3A_657 : memref<1x32x128xf32, #tpu.memory_space<vmem>> -> memref<32x128xf32, #tpu.memory_space<vmem>>
      %dma_wait3A_659 = arith.constant 0 : i32
      %dma_wait3A_660 = tpu.memref_slice %arg4[%dma_wait3A_659, %multiple_of3A_629] : memref<32x1000000xf32, #tpu.memory_space<hbm>> -> memref<32x128xf32, #tpu.memory_space<hbm>>
      tpu.wait_dma2 semaphore(%arg11 : memref<!tpu.dma_semaphore, #tpu.memory_space<semaphore_mem>>) src(%dma_wait3A_660 : memref<32x128xf32, #tpu.memory_space<hbm>>) dst(%dma_wait3A_658 : memref<32x128xf32, #tpu.memory_space<vmem>>)
      %dma_wait3A_661 = arith.constant 2 : i32
      %dma_wait3A_662 = arith.constant 0 : i32
      %dma_wait3A_663 = arith.constant 0 : i32
      %dma_wait3A_664 = tpu.memref_slice %arg9[%dma_wait3A_661, %dma_wait3A_662, %dma_wait3A_663] : memref<8x32x128xf32, #tpu.memory_space<vmem>> -> memref<1x32x128xf32, #tpu.memory_space<vmem>>
      %dma_wait3A_665 = tpu.memref_squeeze %dma_wait3A_664 : memref<1x32x128xf32, #tpu.memory_space<vmem>> -> memref<32x128xf32, #tpu.memory_space<vmem>>
      %dma_wait3A_666 = arith.constant 0 : i32
      %dma_wait3A_667 = tpu.memref_slice %arg4[%dma_wait3A_666, %multiple_of3A_634] : memref<32x1000000xf32, #tpu.memory_space<hbm>> -> memref<32x128xf32, #tpu.memory_space<hbm>>
      %dma_wait3A_668 = arith.constant 0 : i32
      %dma_wait3A_669 = arith.constant 0 : i32
      %dma_wait3A_670 = tpu.memref_slice %arg9[%dma_wait3A_661, %dma_wait3A_668, %dma_wait3A_669] : memref<8x32x128xf32, #tpu.memory_space<vmem>> -> memref<1x32x128xf32, #tpu.memory_space<vmem>>
      %dma_wait3A_671 = tpu.memref_squeeze %dma_wait3A_670 : memref<1x32x128xf32, #tpu.memory_space<vmem>> -> memref<32x128xf32, #tpu.memory_space<vmem>>
      %dma_wait3A_672 = arith.constant 0 : i32
      %dma_wait3A_673 = tpu.memref_slice %arg4[%dma_wait3A_672, %multiple_of3A_634] : memref<32x1000000xf32, #tpu.memory_space<hbm>> -> memref<32x128xf32, #tpu.memory_space<hbm>>
      tpu.wait_dma2 semaphore(%arg11 : memref<!tpu.dma_semaphore, #tpu.memory_space<semaphore_mem>>) src(%dma_wait3A_673 : memref<32x128xf32, #tpu.memory_space<hbm>>) dst(%dma_wait3A_671 : memref<32x128xf32, #tpu.memory_space<vmem>>)
      %slice3A_674 = vector.extract_strided_slice %get3A_16 {offsets = [3], sizes = [1], strides = [1]} : vector<16xi32> to vector<1xi32>
      %squeeze3A_675 = vector.extract %slice3A_674[0] : i32 from vector<1xi32>
      %slice3A_676 = vector.extract_strided_slice %get3A_19 {offsets = [3], sizes = [1], strides = [1]} : vector<16xi32> to vector<1xi32>
      %squeeze3A_677 = vector.extract %slice3A_676[0] : i32 from vector<1xi32>
      %slice3A_678 = vector.extract_strided_slice %get3A_19 {offsets = [11], sizes = [1], strides = [1]} : vector<16xi32> to vector<1xi32>
      %squeeze3A_679 = vector.extract %slice3A_678[0] : i32 from vector<1xi32>
      %shift_right_arithmetic3A_680 = arith.constant 7 : i32
      %shift_right_arithmetic3A_681 = arith.shrsi %squeeze3A_675, %shift_right_arithmetic3A_680 : i32
      %mul3A_682 = arith.constant 128 : i32
      %mul3A_683 = arith.muli %shift_right_arithmetic3A_681, %mul3A_682 : i32
      %multiple_of3A_684 = tpu.assume_multiple %mul3A_683, 128 : i32
      %shift_right_arithmetic3A_685 = arith.constant 7 : i32
      %shift_right_arithmetic3A_686 = arith.shrsi %squeeze3A_677, %shift_right_arithmetic3A_685 : i32
      %mul3A_687 = arith.constant 128 : i32
      %mul3A_688 = arith.muli %shift_right_arithmetic3A_686, %mul3A_687 : i32
      %multiple_of3A_689 = tpu.assume_multiple %mul3A_688, 128 : i32
      %shift_right_arithmetic3A_690 = arith.constant 7 : i32
      %shift_right_arithmetic3A_691 = arith.shrsi %squeeze3A_679, %shift_right_arithmetic3A_690 : i32
      %mul3A_692 = arith.constant 128 : i32
      %mul3A_693 = arith.muli %shift_right_arithmetic3A_691, %mul3A_692 : i32
      %multiple_of3A_694 = tpu.assume_multiple %mul3A_693, 128 : i32
      %dma_wait3A_695 = arith.constant 3 : i32
      %dma_wait3A_696 = arith.constant 0 : i32
      %dma_wait3A_697 = arith.constant 0 : i32
      %dma_wait3A_698 = tpu.memref_slice %arg7[%dma_wait3A_695, %dma_wait3A_696, %dma_wait3A_697] : memref<8x32x128xf32, #tpu.memory_space<vmem>> -> memref<1x32x128xf32, #tpu.memory_space<vmem>>
      %dma_wait3A_699 = tpu.memref_squeeze %dma_wait3A_698 : memref<1x32x128xf32, #tpu.memory_space<vmem>> -> memref<32x128xf32, #tpu.memory_space<vmem>>
      %dma_wait3A_700 = arith.constant 0 : i32
      %dma_wait3A_701 = tpu.memref_slice %arg3[%dma_wait3A_700, %multiple_of3A_684] : memref<32x1000000xf32, #tpu.memory_space<hbm>> -> memref<32x128xf32, #tpu.memory_space<hbm>>
      %dma_wait3A_702 = arith.constant 0 : i32
      %dma_wait3A_703 = arith.constant 0 : i32
      %dma_wait3A_704 = tpu.memref_slice %arg7[%dma_wait3A_695, %dma_wait3A_702, %dma_wait3A_703] : memref<8x32x128xf32, #tpu.memory_space<vmem>> -> memref<1x32x128xf32, #tpu.memory_space<vmem>>
      %dma_wait3A_705 = tpu.memref_squeeze %dma_wait3A_704 : memref<1x32x128xf32, #tpu.memory_space<vmem>> -> memref<32x128xf32, #tpu.memory_space<vmem>>
      %dma_wait3A_706 = arith.constant 0 : i32
      %dma_wait3A_707 = tpu.memref_slice %arg3[%dma_wait3A_706, %multiple_of3A_684] : memref<32x1000000xf32, #tpu.memory_space<hbm>> -> memref<32x128xf32, #tpu.memory_space<hbm>>
      tpu.wait_dma2 semaphore(%arg11 : memref<!tpu.dma_semaphore, #tpu.memory_space<semaphore_mem>>) src(%dma_wait3A_707 : memref<32x128xf32, #tpu.memory_space<hbm>>) dst(%dma_wait3A_705 : memref<32x128xf32, #tpu.memory_space<vmem>>)
      %dma_wait3A_708 = arith.constant 3 : i32
      %dma_wait3A_709 = arith.constant 0 : i32
      %dma_wait3A_710 = arith.constant 0 : i32
      %dma_wait3A_711 = tpu.memref_slice %arg8[%dma_wait3A_708, %dma_wait3A_709, %dma_wait3A_710] : memref<8x32x128xf32, #tpu.memory_space<vmem>> -> memref<1x32x128xf32, #tpu.memory_space<vmem>>
      %dma_wait3A_712 = tpu.memref_squeeze %dma_wait3A_711 : memref<1x32x128xf32, #tpu.memory_space<vmem>> -> memref<32x128xf32, #tpu.memory_space<vmem>>
      %dma_wait3A_713 = arith.constant 0 : i32
      %dma_wait3A_714 = tpu.memref_slice %arg4[%dma_wait3A_713, %multiple_of3A_689] : memref<32x1000000xf32, #tpu.memory_space<hbm>> -> memref<32x128xf32, #tpu.memory_space<hbm>>
      %dma_wait3A_715 = arith.constant 0 : i32
      %dma_wait3A_716 = arith.constant 0 : i32
      %dma_wait3A_717 = tpu.memref_slice %arg8[%dma_wait3A_708, %dma_wait3A_715, %dma_wait3A_716] : memref<8x32x128xf32, #tpu.memory_space<vmem>> -> memref<1x32x128xf32, #tpu.memory_space<vmem>>
      %dma_wait3A_718 = tpu.memref_squeeze %dma_wait3A_717 : memref<1x32x128xf32, #tpu.memory_space<vmem>> -> memref<32x128xf32, #tpu.memory_space<vmem>>
      %dma_wait3A_719 = arith.constant 0 : i32
      %dma_wait3A_720 = tpu.memref_slice %arg4[%dma_wait3A_719, %multiple_of3A_689] : memref<32x1000000xf32, #tpu.memory_space<hbm>> -> memref<32x128xf32, #tpu.memory_space<hbm>>
      tpu.wait_dma2 semaphore(%arg11 : memref<!tpu.dma_semaphore, #tpu.memory_space<semaphore_mem>>) src(%dma_wait3A_720 : memref<32x128xf32, #tpu.memory_space<hbm>>) dst(%dma_wait3A_718 : memref<32x128xf32, #tpu.memory_space<vmem>>)
      %dma_wait3A_721 = arith.constant 3 : i32
      %dma_wait3A_722 = arith.constant 0 : i32
      %dma_wait3A_723 = arith.constant 0 : i32
      %dma_wait3A_724 = tpu.memref_slice %arg9[%dma_wait3A_721, %dma_wait3A_722, %dma_wait3A_723] : memref<8x32x128xf32, #tpu.memory_space<vmem>> -> memref<1x32x128xf32, #tpu.memory_space<vmem>>
      %dma_wait3A_725 = tpu.memref_squeeze %dma_wait3A_724 : memref<1x32x128xf32, #tpu.memory_space<vmem>> -> memref<32x128xf32, #tpu.memory_space<vmem>>
      %dma_wait3A_726 = arith.constant 0 : i32
      %dma_wait3A_727 = tpu.memref_slice %arg4[%dma_wait3A_726, %multiple_of3A_694] : memref<32x1000000xf32, #tpu.memory_space<hbm>> -> memref<32x128xf32, #tpu.memory_space<hbm>>
      %dma_wait3A_728 = arith.constant 0 : i32
      %dma_wait3A_729 = arith.constant 0 : i32
      %dma_wait3A_730 = tpu.memref_slice %arg9[%dma_wait3A_721, %dma_wait3A_728, %dma_wait3A_729] : memref<8x32x128xf32, #tpu.memory_space<vmem>> -> memref<1x32x128xf32, #tpu.memory_space<vmem>>
      %dma_wait3A_731 = tpu.memref_squeeze %dma_wait3A_730 : memref<1x32x128xf32, #tpu.memory_space<vmem>> -> memref<32x128xf32, #tpu.memory_space<vmem>>
      %dma_wait3A_732 = arith.constant 0 : i32
      %dma_wait3A_733 = tpu.memref_slice %arg4[%dma_wait3A_732, %multiple_of3A_694] : memref<32x1000000xf32, #tpu.memory_space<hbm>> -> memref<32x128xf32, #tpu.memory_space<hbm>>
      tpu.wait_dma2 semaphore(%arg11 : memref<!tpu.dma_semaphore, #tpu.memory_space<semaphore_mem>>) src(%dma_wait3A_733 : memref<32x128xf32, #tpu.memory_space<hbm>>) dst(%dma_wait3A_731 : memref<32x128xf32, #tpu.memory_space<vmem>>)
      %slice3A_734 = vector.extract_strided_slice %get3A_16 {offsets = [4], sizes = [1], strides = [1]} : vector<16xi32> to vector<1xi32>
      %squeeze3A_735 = vector.extract %slice3A_734[0] : i32 from vector<1xi32>
      %slice3A_736 = vector.extract_strided_slice %get3A_19 {offsets = [4], sizes = [1], strides = [1]} : vector<16xi32> to vector<1xi32>
      %squeeze3A_737 = vector.extract %slice3A_736[0] : i32 from vector<1xi32>
      %slice3A_738 = vector.extract_strided_slice %get3A_19 {offsets = [12], sizes = [1], strides = [1]} : vector<16xi32> to vector<1xi32>
      %squeeze3A_739 = vector.extract %slice3A_738[0] : i32 from vector<1xi32>
      %shift_right_arithmetic3A_740 = arith.constant 7 : i32
      %shift_right_arithmetic3A_741 = arith.shrsi %squeeze3A_735, %shift_right_arithmetic3A_740 : i32
      %mul3A_742 = arith.constant 128 : i32
      %mul3A_743 = arith.muli %shift_right_arithmetic3A_741, %mul3A_742 : i32
      %multiple_of3A_744 = tpu.assume_multiple %mul3A_743, 128 : i32
      %shift_right_arithmetic3A_745 = arith.constant 7 : i32
      %shift_right_arithmetic3A_746 = arith.shrsi %squeeze3A_737, %shift_right_arithmetic3A_745 : i32
      %mul3A_747 = arith.constant 128 : i32
      %mul3A_748 = arith.muli %shift_right_arithmetic3A_746, %mul3A_747 : i32
      %multiple_of3A_749 = tpu.assume_multiple %mul3A_748, 128 : i32
      %shift_right_arithmetic3A_750 = arith.constant 7 : i32
      %shift_right_arithmetic3A_751 = arith.shrsi %squeeze3A_739, %shift_right_arithmetic3A_750 : i32
      %mul3A_752 = arith.constant 128 : i32
      %mul3A_753 = arith.muli %shift_right_arithmetic3A_751, %mul3A_752 : i32
      %multiple_of3A_754 = tpu.assume_multiple %mul3A_753, 128 : i32
      %dma_wait3A_755 = arith.constant 4 : i32
      %dma_wait3A_756 = arith.constant 0 : i32
      %dma_wait3A_757 = arith.constant 0 : i32
      %dma_wait3A_758 = tpu.memref_slice %arg7[%dma_wait3A_755, %dma_wait3A_756, %dma_wait3A_757] : memref<8x32x128xf32, #tpu.memory_space<vmem>> -> memref<1x32x128xf32, #tpu.memory_space<vmem>>
      %dma_wait3A_759 = tpu.memref_squeeze %dma_wait3A_758 : memref<1x32x128xf32, #tpu.memory_space<vmem>> -> memref<32x128xf32, #tpu.memory_space<vmem>>
      %dma_wait3A_760 = arith.constant 0 : i32
      %dma_wait3A_761 = tpu.memref_slice %arg3[%dma_wait3A_760, %multiple_of3A_744] : memref<32x1000000xf32, #tpu.memory_space<hbm>> -> memref<32x128xf32, #tpu.memory_space<hbm>>
      %dma_wait3A_762 = arith.constant 0 : i32
      %dma_wait3A_763 = arith.constant 0 : i32
      %dma_wait3A_764 = tpu.memref_slice %arg7[%dma_wait3A_755, %dma_wait3A_762, %dma_wait3A_763] : memref<8x32x128xf32, #tpu.memory_space<vmem>> -> memref<1x32x128xf32, #tpu.memory_space<vmem>>
      %dma_wait3A_765 = tpu.memref_squeeze %dma_wait3A_764 : memref<1x32x128xf32, #tpu.memory_space<vmem>> -> memref<32x128xf32, #tpu.memory_space<vmem>>
      %dma_wait3A_766 = arith.constant 0 : i32
      %dma_wait3A_767 = tpu.memref_slice %arg3[%dma_wait3A_766, %multiple_of3A_744] : memref<32x1000000xf32, #tpu.memory_space<hbm>> -> memref<32x128xf32, #tpu.memory_space<hbm>>
      tpu.wait_dma2 semaphore(%arg11 : memref<!tpu.dma_semaphore, #tpu.memory_space<semaphore_mem>>) src(%dma_wait3A_767 : memref<32x128xf32, #tpu.memory_space<hbm>>) dst(%dma_wait3A_765 : memref<32x128xf32, #tpu.memory_space<vmem>>)
      %dma_wait3A_768 = arith.constant 4 : i32
      %dma_wait3A_769 = arith.constant 0 : i32
      %dma_wait3A_770 = arith.constant 0 : i32
      %dma_wait3A_771 = tpu.memref_slice %arg8[%dma_wait3A_768, %dma_wait3A_769, %dma_wait3A_770] : memref<8x32x128xf32, #tpu.memory_space<vmem>> -> memref<1x32x128xf32, #tpu.memory_space<vmem>>
      %dma_wait3A_772 = tpu.memref_squeeze %dma_wait3A_771 : memref<1x32x128xf32, #tpu.memory_space<vmem>> -> memref<32x128xf32, #tpu.memory_space<vmem>>
      %dma_wait3A_773 = arith.constant 0 : i32
      %dma_wait3A_774 = tpu.memref_slice %arg4[%dma_wait3A_773, %multiple_of3A_749] : memref<32x1000000xf32, #tpu.memory_space<hbm>> -> memref<32x128xf32, #tpu.memory_space<hbm>>
      %dma_wait3A_775 = arith.constant 0 : i32
      %dma_wait3A_776 = arith.constant 0 : i32
      %dma_wait3A_777 = tpu.memref_slice %arg8[%dma_wait3A_768, %dma_wait3A_775, %dma_wait3A_776] : memref<8x32x128xf32, #tpu.memory_space<vmem>> -> memref<1x32x128xf32, #tpu.memory_space<vmem>>
      %dma_wait3A_778 = tpu.memref_squeeze %dma_wait3A_777 : memref<1x32x128xf32, #tpu.memory_space<vmem>> -> memref<32x128xf32, #tpu.memory_space<vmem>>
      %dma_wait3A_779 = arith.constant 0 : i32
      %dma_wait3A_780 = tpu.memref_slice %arg4[%dma_wait3A_779, %multiple_of3A_749] : memref<32x1000000xf32, #tpu.memory_space<hbm>> -> memref<32x128xf32, #tpu.memory_space<hbm>>
      tpu.wait_dma2 semaphore(%arg11 : memref<!tpu.dma_semaphore, #tpu.memory_space<semaphore_mem>>) src(%dma_wait3A_780 : memref<32x128xf32, #tpu.memory_space<hbm>>) dst(%dma_wait3A_778 : memref<32x128xf32, #tpu.memory_space<vmem>>)
      %dma_wait3A_781 = arith.constant 4 : i32
      %dma_wait3A_782 = arith.constant 0 : i32
      %dma_wait3A_783 = arith.constant 0 : i32
      %dma_wait3A_784 = tpu.memref_slice %arg9[%dma_wait3A_781, %dma_wait3A_782, %dma_wait3A_783] : memref<8x32x128xf32, #tpu.memory_space<vmem>> -> memref<1x32x128xf32, #tpu.memory_space<vmem>>
      %dma_wait3A_785 = tpu.memref_squeeze %dma_wait3A_784 : memref<1x32x128xf32, #tpu.memory_space<vmem>> -> memref<32x128xf32, #tpu.memory_space<vmem>>
      %dma_wait3A_786 = arith.constant 0 : i32
      %dma_wait3A_787 = tpu.memref_slice %arg4[%dma_wait3A_786, %multiple_of3A_754] : memref<32x1000000xf32, #tpu.memory_space<hbm>> -> memref<32x128xf32, #tpu.memory_space<hbm>>
      %dma_wait3A_788 = arith.constant 0 : i32
      %dma_wait3A_789 = arith.constant 0 : i32
      %dma_wait3A_790 = tpu.memref_slice %arg9[%dma_wait3A_781, %dma_wait3A_788, %dma_wait3A_789] : memref<8x32x128xf32, #tpu.memory_space<vmem>> -> memref<1x32x128xf32, #tpu.memory_space<vmem>>
      %dma_wait3A_791 = tpu.memref_squeeze %dma_wait3A_790 : memref<1x32x128xf32, #tpu.memory_space<vmem>> -> memref<32x128xf32, #tpu.memory_space<vmem>>
      %dma_wait3A_792 = arith.constant 0 : i32
      %dma_wait3A_793 = tpu.memref_slice %arg4[%dma_wait3A_792, %multiple_of3A_754] : memref<32x1000000xf32, #tpu.memory_space<hbm>> -> memref<32x128xf32, #tpu.memory_space<hbm>>
      tpu.wait_dma2 semaphore(%arg11 : memref<!tpu.dma_semaphore, #tpu.memory_space<semaphore_mem>>) src(%dma_wait3A_793 : memref<32x128xf32, #tpu.memory_space<hbm>>) dst(%dma_wait3A_791 : memref<32x128xf32, #tpu.memory_space<vmem>>)
      %slice3A_794 = vector.extract_strided_slice %get3A_16 {offsets = [5], sizes = [1], strides = [1]} : vector<16xi32> to vector<1xi32>
      %squeeze3A_795 = vector.extract %slice3A_794[0] : i32 from vector<1xi32>
      %slice3A_796 = vector.extract_strided_slice %get3A_19 {offsets = [5], sizes = [1], strides = [1]} : vector<16xi32> to vector<1xi32>
      %squeeze3A_797 = vector.extract %slice3A_796[0] : i32 from vector<1xi32>
      %slice3A_798 = vector.extract_strided_slice %get3A_19 {offsets = [13], sizes = [1], strides = [1]} : vector<16xi32> to vector<1xi32>
      %squeeze3A_799 = vector.extract %slice3A_798[0] : i32 from vector<1xi32>
      %shift_right_arithmetic3A_800 = arith.constant 7 : i32
      %shift_right_arithmetic3A_801 = arith.shrsi %squeeze3A_795, %shift_right_arithmetic3A_800 : i32
      %mul3A_802 = arith.constant 128 : i32
      %mul3A_803 = arith.muli %shift_right_arithmetic3A_801, %mul3A_802 : i32
      %multiple_of3A_804 = tpu.assume_multiple %mul3A_803, 128 : i32
      %shift_right_arithmetic3A_805 = arith.constant 7 : i32
      %shift_right_arithmetic3A_806 = arith.shrsi %squeeze3A_797, %shift_right_arithmetic3A_805 : i32
      %mul3A_807 = arith.constant 128 : i32
      %mul3A_808 = arith.muli %shift_right_arithmetic3A_806, %mul3A_807 : i32
      %multiple_of3A_809 = tpu.assume_multiple %mul3A_808, 128 : i32
      %shift_right_arithmetic3A_810 = arith.constant 7 : i32
      %shift_right_arithmetic3A_811 = arith.shrsi %squeeze3A_799, %shift_right_arithmetic3A_810 : i32
      %mul3A_812 = arith.constant 128 : i32
      %mul3A_813 = arith.muli %shift_right_arithmetic3A_811, %mul3A_812 : i32
      %multiple_of3A_814 = tpu.assume_multiple %mul3A_813, 128 : i32
      %dma_wait3A_815 = arith.constant 5 : i32
      %dma_wait3A_816 = arith.constant 0 : i32
      %dma_wait3A_817 = arith.constant 0 : i32
      %dma_wait3A_818 = tpu.memref_slice %arg7[%dma_wait3A_815, %dma_wait3A_816, %dma_wait3A_817] : memref<8x32x128xf32, #tpu.memory_space<vmem>> -> memref<1x32x128xf32, #tpu.memory_space<vmem>>
      %dma_wait3A_819 = tpu.memref_squeeze %dma_wait3A_818 : memref<1x32x128xf32, #tpu.memory_space<vmem>> -> memref<32x128xf32, #tpu.memory_space<vmem>>
      %dma_wait3A_820 = arith.constant 0 : i32
      %dma_wait3A_821 = tpu.memref_slice %arg3[%dma_wait3A_820, %multiple_of3A_804] : memref<32x1000000xf32, #tpu.memory_space<hbm>> -> memref<32x128xf32, #tpu.memory_space<hbm>>
      %dma_wait3A_822 = arith.constant 0 : i32
      %dma_wait3A_823 = arith.constant 0 : i32
      %dma_wait3A_824 = tpu.memref_slice %arg7[%dma_wait3A_815, %dma_wait3A_822, %dma_wait3A_823] : memref<8x32x128xf32, #tpu.memory_space<vmem>> -> memref<1x32x128xf32, #tpu.memory_space<vmem>>
      %dma_wait3A_825 = tpu.memref_squeeze %dma_wait3A_824 : memref<1x32x128xf32, #tpu.memory_space<vmem>> -> memref<32x128xf32, #tpu.memory_space<vmem>>
      %dma_wait3A_826 = arith.constant 0 : i32
      %dma_wait3A_827 = tpu.memref_slice %arg3[%dma_wait3A_826, %multiple_of3A_804] : memref<32x1000000xf32, #tpu.memory_space<hbm>> -> memref<32x128xf32, #tpu.memory_space<hbm>>
      tpu.wait_dma2 semaphore(%arg11 : memref<!tpu.dma_semaphore, #tpu.memory_space<semaphore_mem>>) src(%dma_wait3A_827 : memref<32x128xf32, #tpu.memory_space<hbm>>) dst(%dma_wait3A_825 : memref<32x128xf32, #tpu.memory_space<vmem>>)
      %dma_wait3A_828 = arith.constant 5 : i32
      %dma_wait3A_829 = arith.constant 0 : i32
      %dma_wait3A_830 = arith.constant 0 : i32
      %dma_wait3A_831 = tpu.memref_slice %arg8[%dma_wait3A_828, %dma_wait3A_829, %dma_wait3A_830] : memref<8x32x128xf32, #tpu.memory_space<vmem>> -> memref<1x32x128xf32, #tpu.memory_space<vmem>>
      %dma_wait3A_832 = tpu.memref_squeeze %dma_wait3A_831 : memref<1x32x128xf32, #tpu.memory_space<vmem>> -> memref<32x128xf32, #tpu.memory_space<vmem>>
      %dma_wait3A_833 = arith.constant 0 : i32
      %dma_wait3A_834 = tpu.memref_slice %arg4[%dma_wait3A_833, %multiple_of3A_809] : memref<32x1000000xf32, #tpu.memory_space<hbm>> -> memref<32x128xf32, #tpu.memory_space<hbm>>
      %dma_wait3A_835 = arith.constant 0 : i32
      %dma_wait3A_836 = arith.constant 0 : i32
      %dma_wait3A_837 = tpu.memref_slice %arg8[%dma_wait3A_828, %dma_wait3A_835, %dma_wait3A_836] : memref<8x32x128xf32, #tpu.memory_space<vmem>> -> memref<1x32x128xf32, #tpu.memory_space<vmem>>
      %dma_wait3A_838 = tpu.memref_squeeze %dma_wait3A_837 : memref<1x32x128xf32, #tpu.memory_space<vmem>> -> memref<32x128xf32, #tpu.memory_space<vmem>>
      %dma_wait3A_839 = arith.constant 0 : i32
      %dma_wait3A_840 = tpu.memref_slice %arg4[%dma_wait3A_839, %multiple_of3A_809] : memref<32x1000000xf32, #tpu.memory_space<hbm>> -> memref<32x128xf32, #tpu.memory_space<hbm>>
      tpu.wait_dma2 semaphore(%arg11 : memref<!tpu.dma_semaphore, #tpu.memory_space<semaphore_mem>>) src(%dma_wait3A_840 : memref<32x128xf32, #tpu.memory_space<hbm>>) dst(%dma_wait3A_838 : memref<32x128xf32, #tpu.memory_space<vmem>>)
      %dma_wait3A_841 = arith.constant 5 : i32
      %dma_wait3A_842 = arith.constant 0 : i32
      %dma_wait3A_843 = arith.constant 0 : i32
      %dma_wait3A_844 = tpu.memref_slice %arg9[%dma_wait3A_841, %dma_wait3A_842, %dma_wait3A_843] : memref<8x32x128xf32, #tpu.memory_space<vmem>> -> memref<1x32x128xf32, #tpu.memory_space<vmem>>
      %dma_wait3A_845 = tpu.memref_squeeze %dma_wait3A_844 : memref<1x32x128xf32, #tpu.memory_space<vmem>> -> memref<32x128xf32, #tpu.memory_space<vmem>>
      %dma_wait3A_846 = arith.constant 0 : i32
      %dma_wait3A_847 = tpu.memref_slice %arg4[%dma_wait3A_846, %multiple_of3A_814] : memref<32x1000000xf32, #tpu.memory_space<hbm>> -> memref<32x128xf32, #tpu.memory_space<hbm>>
      %dma_wait3A_848 = arith.constant 0 : i32
      %dma_wait3A_849 = arith.constant 0 : i32
      %dma_wait3A_850 = tpu.memref_slice %arg9[%dma_wait3A_841, %dma_wait3A_848, %dma_wait3A_849] : memref<8x32x128xf32, #tpu.memory_space<vmem>> -> memref<1x32x128xf32, #tpu.memory_space<vmem>>
      %dma_wait3A_851 = tpu.memref_squeeze %dma_wait3A_850 : memref<1x32x128xf32, #tpu.memory_space<vmem>> -> memref<32x128xf32, #tpu.memory_space<vmem>>
      %dma_wait3A_852 = arith.constant 0 : i32
      %dma_wait3A_853 = tpu.memref_slice %arg4[%dma_wait3A_852, %multiple_of3A_814] : memref<32x1000000xf32, #tpu.memory_space<hbm>> -> memref<32x128xf32, #tpu.memory_space<hbm>>
      tpu.wait_dma2 semaphore(%arg11 : memref<!tpu.dma_semaphore, #tpu.memory_space<semaphore_mem>>) src(%dma_wait3A_853 : memref<32x128xf32, #tpu.memory_space<hbm>>) dst(%dma_wait3A_851 : memref<32x128xf32, #tpu.memory_space<vmem>>)
      %slice3A_854 = vector.extract_strided_slice %get3A_16 {offsets = [6], sizes = [1], strides = [1]} : vector<16xi32> to vector<1xi32>
      %squeeze3A_855 = vector.extract %slice3A_854[0] : i32 from vector<1xi32>
      %slice3A_856 = vector.extract_strided_slice %get3A_19 {offsets = [6], sizes = [1], strides = [1]} : vector<16xi32> to vector<1xi32>
      %squeeze3A_857 = vector.extract %slice3A_856[0] : i32 from vector<1xi32>
      %slice3A_858 = vector.extract_strided_slice %get3A_19 {offsets = [14], sizes = [1], strides = [1]} : vector<16xi32> to vector<1xi32>
      %squeeze3A_859 = vector.extract %slice3A_858[0] : i32 from vector<1xi32>
      %shift_right_arithmetic3A_860 = arith.constant 7 : i32
      %shift_right_arithmetic3A_861 = arith.shrsi %squeeze3A_855, %shift_right_arithmetic3A_860 : i32
      %mul3A_862 = arith.constant 128 : i32
      %mul3A_863 = arith.muli %shift_right_arithmetic3A_861, %mul3A_862 : i32
      %multiple_of3A_864 = tpu.assume_multiple %mul3A_863, 128 : i32
      %shift_right_arithmetic3A_865 = arith.constant 7 : i32
      %shift_right_arithmetic3A_866 = arith.shrsi %squeeze3A_857, %shift_right_arithmetic3A_865 : i32
      %mul3A_867 = arith.constant 128 : i32
      %mul3A_868 = arith.muli %shift_right_arithmetic3A_866, %mul3A_867 : i32
      %multiple_of3A_869 = tpu.assume_multiple %mul3A_868, 128 : i32
      %shift_right_arithmetic3A_870 = arith.constant 7 : i32
      %shift_right_arithmetic3A_871 = arith.shrsi %squeeze3A_859, %shift_right_arithmetic3A_870 : i32
      %mul3A_872 = arith.constant 128 : i32
      %mul3A_873 = arith.muli %shift_right_arithmetic3A_871, %mul3A_872 : i32
      %multiple_of3A_874 = tpu.assume_multiple %mul3A_873, 128 : i32
      %dma_wait3A_875 = arith.constant 6 : i32
      %dma_wait3A_876 = arith.constant 0 : i32
      %dma_wait3A_877 = arith.constant 0 : i32
      %dma_wait3A_878 = tpu.memref_slice %arg7[%dma_wait3A_875, %dma_wait3A_876, %dma_wait3A_877] : memref<8x32x128xf32, #tpu.memory_space<vmem>> -> memref<1x32x128xf32, #tpu.memory_space<vmem>>
      %dma_wait3A_879 = tpu.memref_squeeze %dma_wait3A_878 : memref<1x32x128xf32, #tpu.memory_space<vmem>> -> memref<32x128xf32, #tpu.memory_space<vmem>>
      %dma_wait3A_880 = arith.constant 0 : i32
      %dma_wait3A_881 = tpu.memref_slice %arg3[%dma_wait3A_880, %multiple_of3A_864] : memref<32x1000000xf32, #tpu.memory_space<hbm>> -> memref<32x128xf32, #tpu.memory_space<hbm>>
      %dma_wait3A_882 = arith.constant 0 : i32
      %dma_wait3A_883 = arith.constant 0 : i32
      %dma_wait3A_884 = tpu.memref_slice %arg7[%dma_wait3A_875, %dma_wait3A_882, %dma_wait3A_883] : memref<8x32x128xf32, #tpu.memory_space<vmem>> -> memref<1x32x128xf32, #tpu.memory_space<vmem>>
      %dma_wait3A_885 = tpu.memref_squeeze %dma_wait3A_884 : memref<1x32x128xf32, #tpu.memory_space<vmem>> -> memref<32x128xf32, #tpu.memory_space<vmem>>
      %dma_wait3A_886 = arith.constant 0 : i32
      %dma_wait3A_887 = tpu.memref_slice %arg3[%dma_wait3A_886, %multiple_of3A_864] : memref<32x1000000xf32, #tpu.memory_space<hbm>> -> memref<32x128xf32, #tpu.memory_space<hbm>>
      tpu.wait_dma2 semaphore(%arg11 : memref<!tpu.dma_semaphore, #tpu.memory_space<semaphore_mem>>) src(%dma_wait3A_887 : memref<32x128xf32, #tpu.memory_space<hbm>>) dst(%dma_wait3A_885 : memref<32x128xf32, #tpu.memory_space<vmem>>)
      %dma_wait3A_888 = arith.constant 6 : i32
      %dma_wait3A_889 = arith.constant 0 : i32
      %dma_wait3A_890 = arith.constant 0 : i32
      %dma_wait3A_891 = tpu.memref_slice %arg8[%dma_wait3A_888, %dma_wait3A_889, %dma_wait3A_890] : memref<8x32x128xf32, #tpu.memory_space<vmem>> -> memref<1x32x128xf32, #tpu.memory_space<vmem>>
      %dma_wait3A_892 = tpu.memref_squeeze %dma_wait3A_891 : memref<1x32x128xf32, #tpu.memory_space<vmem>> -> memref<32x128xf32, #tpu.memory_space<vmem>>
      %dma_wait3A_893 = arith.constant 0 : i32
      %dma_wait3A_894 = tpu.memref_slice %arg4[%dma_wait3A_893, %multiple_of3A_869] : memref<32x1000000xf32, #tpu.memory_space<hbm>> -> memref<32x128xf32, #tpu.memory_space<hbm>>
      %dma_wait3A_895 = arith.constant 0 : i32
      %dma_wait3A_896 = arith.constant 0 : i32
      %dma_wait3A_897 = tpu.memref_slice %arg8[%dma_wait3A_888, %dma_wait3A_895, %dma_wait3A_896] : memref<8x32x128xf32, #tpu.memory_space<vmem>> -> memref<1x32x128xf32, #tpu.memory_space<vmem>>
      %dma_wait3A_898 = tpu.memref_squeeze %dma_wait3A_897 : memref<1x32x128xf32, #tpu.memory_space<vmem>> -> memref<32x128xf32, #tpu.memory_space<vmem>>
      %dma_wait3A_899 = arith.constant 0 : i32
      %dma_wait3A_900 = tpu.memref_slice %arg4[%dma_wait3A_899, %multiple_of3A_869] : memref<32x1000000xf32, #tpu.memory_space<hbm>> -> memref<32x128xf32, #tpu.memory_space<hbm>>
      tpu.wait_dma2 semaphore(%arg11 : memref<!tpu.dma_semaphore, #tpu.memory_space<semaphore_mem>>) src(%dma_wait3A_900 : memref<32x128xf32, #tpu.memory_space<hbm>>) dst(%dma_wait3A_898 : memref<32x128xf32, #tpu.memory_space<vmem>>)
      %dma_wait3A_901 = arith.constant 6 : i32
      %dma_wait3A_902 = arith.constant 0 : i32
      %dma_wait3A_903 = arith.constant 0 : i32
      %dma_wait3A_904 = tpu.memref_slice %arg9[%dma_wait3A_901, %dma_wait3A_902, %dma_wait3A_903] : memref<8x32x128xf32, #tpu.memory_space<vmem>> -> memref<1x32x128xf32, #tpu.memory_space<vmem>>
      %dma_wait3A_905 = tpu.memref_squeeze %dma_wait3A_904 : memref<1x32x128xf32, #tpu.memory_space<vmem>> -> memref<32x128xf32, #tpu.memory_space<vmem>>
      %dma_wait3A_906 = arith.constant 0 : i32
      %dma_wait3A_907 = tpu.memref_slice %arg4[%dma_wait3A_906, %multiple_of3A_874] : memref<32x1000000xf32, #tpu.memory_space<hbm>> -> memref<32x128xf32, #tpu.memory_space<hbm>>
      %dma_wait3A_908 = arith.constant 0 : i32
      %dma_wait3A_909 = arith.constant 0 : i32
      %dma_wait3A_910 = tpu.memref_slice %arg9[%dma_wait3A_901, %dma_wait3A_908, %dma_wait3A_909] : memref<8x32x128xf32, #tpu.memory_space<vmem>> -> memref<1x32x128xf32, #tpu.memory_space<vmem>>
      %dma_wait3A_911 = tpu.memref_squeeze %dma_wait3A_910 : memref<1x32x128xf32, #tpu.memory_space<vmem>> -> memref<32x128xf32, #tpu.memory_space<vmem>>
      %dma_wait3A_912 = arith.constant 0 : i32
      %dma_wait3A_913 = tpu.memref_slice %arg4[%dma_wait3A_912, %multiple_of3A_874] : memref<32x1000000xf32, #tpu.memory_space<hbm>> -> memref<32x128xf32, #tpu.memory_space<hbm>>
      tpu.wait_dma2 semaphore(%arg11 : memref<!tpu.dma_semaphore, #tpu.memory_space<semaphore_mem>>) src(%dma_wait3A_913 : memref<32x128xf32, #tpu.memory_space<hbm>>) dst(%dma_wait3A_911 : memref<32x128xf32, #tpu.memory_space<vmem>>)
      %slice3A_914 = vector.extract_strided_slice %get3A_16 {offsets = [7], sizes = [1], strides = [1]} : vector<16xi32> to vector<1xi32>
      %squeeze3A_915 = vector.extract %slice3A_914[0] : i32 from vector<1xi32>
      %slice3A_916 = vector.extract_strided_slice %get3A_19 {offsets = [7], sizes = [1], strides = [1]} : vector<16xi32> to vector<1xi32>
      %squeeze3A_917 = vector.extract %slice3A_916[0] : i32 from vector<1xi32>
      %slice3A_918 = vector.extract_strided_slice %get3A_19 {offsets = [15], sizes = [1], strides = [1]} : vector<16xi32> to vector<1xi32>
      %squeeze3A_919 = vector.extract %slice3A_918[0] : i32 from vector<1xi32>
      %shift_right_arithmetic3A_920 = arith.constant 7 : i32
      %shift_right_arithmetic3A_921 = arith.shrsi %squeeze3A_915, %shift_right_arithmetic3A_920 : i32
      %mul3A_922 = arith.constant 128 : i32
      %mul3A_923 = arith.muli %shift_right_arithmetic3A_921, %mul3A_922 : i32
      %multiple_of3A_924 = tpu.assume_multiple %mul3A_923, 128 : i32
      %shift_right_arithmetic3A_925 = arith.constant 7 : i32
      %shift_right_arithmetic3A_926 = arith.shrsi %squeeze3A_917, %shift_right_arithmetic3A_925 : i32
      %mul3A_927 = arith.constant 128 : i32
      %mul3A_928 = arith.muli %shift_right_arithmetic3A_926, %mul3A_927 : i32
      %multiple_of3A_929 = tpu.assume_multiple %mul3A_928, 128 : i32
      %shift_right_arithmetic3A_930 = arith.constant 7 : i32
      %shift_right_arithmetic3A_931 = arith.shrsi %squeeze3A_919, %shift_right_arithmetic3A_930 : i32
      %mul3A_932 = arith.constant 128 : i32
      %mul3A_933 = arith.muli %shift_right_arithmetic3A_931, %mul3A_932 : i32
      %multiple_of3A_934 = tpu.assume_multiple %mul3A_933, 128 : i32
      %dma_wait3A_935 = arith.constant 7 : i32
      %dma_wait3A_936 = arith.constant 0 : i32
      %dma_wait3A_937 = arith.constant 0 : i32
      %dma_wait3A_938 = tpu.memref_slice %arg7[%dma_wait3A_935, %dma_wait3A_936, %dma_wait3A_937] : memref<8x32x128xf32, #tpu.memory_space<vmem>> -> memref<1x32x128xf32, #tpu.memory_space<vmem>>
      %dma_wait3A_939 = tpu.memref_squeeze %dma_wait3A_938 : memref<1x32x128xf32, #tpu.memory_space<vmem>> -> memref<32x128xf32, #tpu.memory_space<vmem>>
      %dma_wait3A_940 = arith.constant 0 : i32
      %dma_wait3A_941 = tpu.memref_slice %arg3[%dma_wait3A_940, %multiple_of3A_924] : memref<32x1000000xf32, #tpu.memory_space<hbm>> -> memref<32x128xf32, #tpu.memory_space<hbm>>
      %dma_wait3A_942 = arith.constant 0 : i32
      %dma_wait3A_943 = arith.constant 0 : i32
      %dma_wait3A_944 = tpu.memref_slice %arg7[%dma_wait3A_935, %dma_wait3A_942, %dma_wait3A_943] : memref<8x32x128xf32, #tpu.memory_space<vmem>> -> memref<1x32x128xf32, #tpu.memory_space<vmem>>
      %dma_wait3A_945 = tpu.memref_squeeze %dma_wait3A_944 : memref<1x32x128xf32, #tpu.memory_space<vmem>> -> memref<32x128xf32, #tpu.memory_space<vmem>>
      %dma_wait3A_946 = arith.constant 0 : i32
      %dma_wait3A_947 = tpu.memref_slice %arg3[%dma_wait3A_946, %multiple_of3A_924] : memref<32x1000000xf32, #tpu.memory_space<hbm>> -> memref<32x128xf32, #tpu.memory_space<hbm>>
      tpu.wait_dma2 semaphore(%arg11 : memref<!tpu.dma_semaphore, #tpu.memory_space<semaphore_mem>>) src(%dma_wait3A_947 : memref<32x128xf32, #tpu.memory_space<hbm>>) dst(%dma_wait3A_945 : memref<32x128xf32, #tpu.memory_space<vmem>>)
      %dma_wait3A_948 = arith.constant 7 : i32
      %dma_wait3A_949 = arith.constant 0 : i32
      %dma_wait3A_950 = arith.constant 0 : i32
      %dma_wait3A_951 = tpu.memref_slice %arg8[%dma_wait3A_948, %dma_wait3A_949, %dma_wait3A_950] : memref<8x32x128xf32, #tpu.memory_space<vmem>> -> memref<1x32x128xf32, #tpu.memory_space<vmem>>
      %dma_wait3A_952 = tpu.memref_squeeze %dma_wait3A_951 : memref<1x32x128xf32, #tpu.memory_space<vmem>> -> memref<32x128xf32, #tpu.memory_space<vmem>>
      %dma_wait3A_953 = arith.constant 0 : i32
      %dma_wait3A_954 = tpu.memref_slice %arg4[%dma_wait3A_953, %multiple_of3A_929] : memref<32x1000000xf32, #tpu.memory_space<hbm>> -> memref<32x128xf32, #tpu.memory_space<hbm>>
      %dma_wait3A_955 = arith.constant 0 : i32
      %dma_wait3A_956 = arith.constant 0 : i32
      %dma_wait3A_957 = tpu.memref_slice %arg8[%dma_wait3A_948, %dma_wait3A_955, %dma_wait3A_956] : memref<8x32x128xf32, #tpu.memory_space<vmem>> -> memref<1x32x128xf32, #tpu.memory_space<vmem>>
      %dma_wait3A_958 = tpu.memref_squeeze %dma_wait3A_957 : memref<1x32x128xf32, #tpu.memory_space<vmem>> -> memref<32x128xf32, #tpu.memory_space<vmem>>
      %dma_wait3A_959 = arith.constant 0 : i32
      %dma_wait3A_960 = tpu.memref_slice %arg4[%dma_wait3A_959, %multiple_of3A_929] : memref<32x1000000xf32, #tpu.memory_space<hbm>> -> memref<32x128xf32, #tpu.memory_space<hbm>>
      tpu.wait_dma2 semaphore(%arg11 : memref<!tpu.dma_semaphore, #tpu.memory_space<semaphore_mem>>) src(%dma_wait3A_960 : memref<32x128xf32, #tpu.memory_space<hbm>>) dst(%dma_wait3A_958 : memref<32x128xf32, #tpu.memory_space<vmem>>)
      %dma_wait3A_961 = arith.constant 7 : i32
      %dma_wait3A_962 = arith.constant 0 : i32
      %dma_wait3A_963 = arith.constant 0 : i32
      %dma_wait3A_964 = tpu.memref_slice %arg9[%dma_wait3A_961, %dma_wait3A_962, %dma_wait3A_963] : memref<8x32x128xf32, #tpu.memory_space<vmem>> -> memref<1x32x128xf32, #tpu.memory_space<vmem>>
      %dma_wait3A_965 = tpu.memref_squeeze %dma_wait3A_964 : memref<1x32x128xf32, #tpu.memory_space<vmem>> -> memref<32x128xf32, #tpu.memory_space<vmem>>
      %dma_wait3A_966 = arith.constant 0 : i32
      %dma_wait3A_967 = tpu.memref_slice %arg4[%dma_wait3A_966, %multiple_of3A_934] : memref<32x1000000xf32, #tpu.memory_space<hbm>> -> memref<32x128xf32, #tpu.memory_space<hbm>>
      %dma_wait3A_968 = arith.constant 0 : i32
      %dma_wait3A_969 = arith.constant 0 : i32
      %dma_wait3A_970 = tpu.memref_slice %arg9[%dma_wait3A_961, %dma_wait3A_968, %dma_wait3A_969] : memref<8x32x128xf32, #tpu.memory_space<vmem>> -> memref<1x32x128xf32, #tpu.memory_space<vmem>>
      %dma_wait3A_971 = tpu.memref_squeeze %dma_wait3A_970 : memref<1x32x128xf32, #tpu.memory_space<vmem>> -> memref<32x128xf32, #tpu.memory_space<vmem>>
      %dma_wait3A_972 = arith.constant 0 : i32
      %dma_wait3A_973 = tpu.memref_slice %arg4[%dma_wait3A_972, %multiple_of3A_934] : memref<32x1000000xf32, #tpu.memory_space<hbm>> -> memref<32x128xf32, #tpu.memory_space<hbm>>
      tpu.wait_dma2 semaphore(%arg11 : memref<!tpu.dma_semaphore, #tpu.memory_space<semaphore_mem>>) src(%dma_wait3A_973 : memref<32x128xf32, #tpu.memory_space<hbm>>) dst(%dma_wait3A_971 : memref<32x128xf32, #tpu.memory_space<vmem>>)
      %slice3A_974 = vector.extract_strided_slice %get3A_16 {offsets = [0], sizes = [1], strides = [1]} : vector<16xi32> to vector<1xi32>
      %squeeze3A_975 = vector.extract %slice3A_974[0] : i32 from vector<1xi32>
      %and3A = arith.constant 127 : i32
      %and3A_976 = arith.andi %squeeze3A_975, %and3A : i32
      %broadcast_in_dim3A_977 = vector.broadcast %and3A_976 : i32 to vector<16xi32>
      %slice3A_978 = vector.extract_strided_slice %get3A_19 {offsets = [0], sizes = [1], strides = [1]} : vector<16xi32> to vector<1xi32>
      %squeeze3A_979 = vector.extract %slice3A_978[0] : i32 from vector<1xi32>
      %and3A_980 = arith.constant 127 : i32
      %and3A_981 = arith.andi %squeeze3A_979, %and3A_980 : i32
      %broadcast_in_dim3A_982 = vector.broadcast %and3A_981 : i32 to vector<16xi32>
      %slice3A_983 = vector.extract_strided_slice %get3A_19 {offsets = [8], sizes = [1], strides = [1]} : vector<16xi32> to vector<1xi32>
      %squeeze3A_984 = vector.extract %slice3A_983[0] : i32 from vector<1xi32>
      %and3A_985 = arith.constant 127 : i32
      %and3A_986 = arith.andi %squeeze3A_984, %and3A_985 : i32
      %broadcast_in_dim3A_987 = vector.broadcast %and3A_986 : i32 to vector<16xi32>
      %broadcast_in_dim3A_988 = arith.constant 0 : i32
      %broadcast_in_dim3A_989 = vector.broadcast %broadcast_in_dim3A_988 : i32 to vector<16xi32>
      %broadcast_in_dim3A_990 = arith.constant 0.000000e+00 : f32
      %broadcast_in_dim3A_991 = vector.broadcast %broadcast_in_dim3A_990 : f32 to vector<16xf32>
      %gather3A = tpu.vector_load_idx %arg7[%broadcast_in_dim3A_989, %iota3A_1, %broadcast_in_dim3A_977] : memref<8x32x128xf32, #tpu.memory_space<vmem>>[vector<16xi32>, vector<16xi32>, vector<16xi32>], vector<16xf32>,
      %gather3A_992 = tpu.vector_load_idx %arg8[%broadcast_in_dim3A_989, %iota3A_1, %broadcast_in_dim3A_982] : memref<8x32x128xf32, #tpu.memory_space<vmem>>[vector<16xi32>, vector<16xi32>, vector<16xi32>], vector<16xf32>,
      %gather3A_993 = tpu.vector_load_idx %arg9[%broadcast_in_dim3A_989, %iota3A_1, %broadcast_in_dim3A_987] : memref<8x32x128xf32, #tpu.memory_space<vmem>>[vector<16xi32>, vector<16xi32>, vector<16xi32>], vector<16xf32>,
      %sub3A = arith.subf %gather3A_992, %gather3A_993 : vector<16xf32>
      %mul3A_994 = arith.mulf %gather3A, %sub3A : vector<16xf32>
      %add3A_995 = arith.addf %broadcast_in_dim3A_991, %mul3A_994 : vector<16xf32>
      %gather3A_996 = tpu.vector_load_idx %arg7[%broadcast_in_dim3A_989, %add3A_4, %broadcast_in_dim3A_977] : memref<8x32x128xf32, #tpu.memory_space<vmem>>[vector<16xi32>, vector<16xi32>, vector<16xi32>], vector<16xf32>,
      %gather3A_997 = tpu.vector_load_idx %arg8[%broadcast_in_dim3A_989, %add3A_4, %broadcast_in_dim3A_982] : memref<8x32x128xf32, #tpu.memory_space<vmem>>[vector<16xi32>, vector<16xi32>, vector<16xi32>], vector<16xf32>,
      %gather3A_998 = tpu.vector_load_idx %arg9[%broadcast_in_dim3A_989, %add3A_4, %broadcast_in_dim3A_987] : memref<8x32x128xf32, #tpu.memory_space<vmem>>[vector<16xi32>, vector<16xi32>, vector<16xi32>], vector<16xf32>,
      %sub3A_999 = arith.subf %gather3A_997, %gather3A_998 : vector<16xf32>
      %mul3A_1000 = arith.mulf %gather3A_996, %sub3A_999 : vector<16xf32>
      %add3A_1001 = arith.addf %add3A_995, %mul3A_1000 : vector<16xf32>
      %reduce_sum3A = arith.constant true
      %reduce_sum3A_1002 = vector.broadcast %reduce_sum3A : i1 to vector<16xi1>
      %reduce_sum3A_1003 = tpu.scan <sum>, %add3A_1001 masked %reduce_sum3A_1002 : vector<16xf32>, vector<16xi1> -> vector<16xf32>
      %reduce_sum3A_1004 = vector.extract %reduce_sum3A_1003[15] : f32 from vector<16xf32>
      %jit3A = arith.constant 2 : i32
      %eq3A = arith.constant 0 : i32
      %eq3A_1005 = arith.cmpi eq, %jit3A, %eq3A : i32
      %jit3A_1006 = arith.constant 1 : i32
      %select_n3A = arith.select %eq3A_1005, %jit3A_1006, %jit3A : i32
      %rem3A = arith.remsi %scan3A_13, %select_n3A : i32
      %ne3A = arith.constant 0 : i32
      %ne3A_1007 = arith.cmpi ne, %rem3A, %ne3A : i32
      %lt3A = arith.constant 0 : i32
      %lt3A_1008 = arith.cmpi slt, %rem3A, %lt3A : i32
      %lt3A_1009 = arith.constant 0 : i32
      %lt3A_1010 = arith.cmpi slt, %select_n3A, %lt3A_1009 : i32
      %ne3A_1011 = arith.xori %lt3A_1008, %lt3A_1010 : i1
      %and3A_1012 = arith.andi %ne3A_1011, %ne3A_1007 : i1
      %add3A_1013 = arith.addi %rem3A, %select_n3A : i32
      %select_n3A_1014 = arith.select %and3A_1012, %add3A_1013, %rem3A : i32
      %mul3A_1015 = arith.constant 8 : i32
      %mul3A_1016 = arith.muli %select_n3A_1014, %mul3A_1015 : i32
      %add3A_1017 = arith.constant 0 : i32
      %add3A_1018 = arith.addi %mul3A_1016, %add3A_1017 : i32
      %eq3A_1019 = vector.broadcast %add3A_1018 : i32 to vector<16xi32>
      %eq3A_1020 = arith.cmpi eq, %iota3A, %eq3A_1019 : vector<16xi32>
      %broadcast_in_dim3A_1021 = vector.broadcast %reduce_sum3A_1004 : f32 to vector<16xf32>
      %select_n3A_1022 = arith.select %eq3A_1020, %broadcast_in_dim3A_1021, %scan3A_14 : vector<16xi1>, vector<16xf32>
      %slice3A_1023 = vector.extract_strided_slice %get3A_16 {offsets = [1], sizes = [1], strides = [1]} : vector<16xi32> to vector<1xi32>
      %squeeze3A_1024 = vector.extract %slice3A_1023[0] : i32 from vector<1xi32>
      %and3A_1025 = arith.constant 127 : i32
      %and3A_1026 = arith.andi %squeeze3A_1024, %and3A_1025 : i32
      %broadcast_in_dim3A_1027 = vector.broadcast %and3A_1026 : i32 to vector<16xi32>
      %slice3A_1028 = vector.extract_strided_slice %get3A_19 {offsets = [1], sizes = [1], strides = [1]} : vector<16xi32> to vector<1xi32>
      %squeeze3A_1029 = vector.extract %slice3A_1028[0] : i32 from vector<1xi32>
      %and3A_1030 = arith.constant 127 : i32
      %and3A_1031 = arith.andi %squeeze3A_1029, %and3A_1030 : i32
      %broadcast_in_dim3A_1032 = vector.broadcast %and3A_1031 : i32 to vector<16xi32>
      %slice3A_1033 = vector.extract_strided_slice %get3A_19 {offsets = [9], sizes = [1], strides = [1]} : vector<16xi32> to vector<1xi32>
      %squeeze3A_1034 = vector.extract %slice3A_1033[0] : i32 from vector<1xi32>
      %and3A_1035 = arith.constant 127 : i32
      %and3A_1036 = arith.andi %squeeze3A_1034, %and3A_1035 : i32
      %broadcast_in_dim3A_1037 = vector.broadcast %and3A_1036 : i32 to vector<16xi32>
      %broadcast_in_dim3A_1038 = arith.constant 1 : i32
      %broadcast_in_dim3A_1039 = vector.broadcast %broadcast_in_dim3A_1038 : i32 to vector<16xi32>
      %broadcast_in_dim3A_1040 = arith.constant 0.000000e+00 : f32
      %broadcast_in_dim3A_1041 = vector.broadcast %broadcast_in_dim3A_1040 : f32 to vector<16xf32>
      %gather3A_1042 = tpu.vector_load_idx %arg7[%broadcast_in_dim3A_1039, %iota3A_1, %broadcast_in_dim3A_1027] : memref<8x32x128xf32, #tpu.memory_space<vmem>>[vector<16xi32>, vector<16xi32>, vector<16xi32>], vector<16xf32>,
      %gather3A_1043 = tpu.vector_load_idx %arg8[%broadcast_in_dim3A_1039, %iota3A_1, %broadcast_in_dim3A_1032] : memref<8x32x128xf32, #tpu.memory_space<vmem>>[vector<16xi32>, vector<16xi32>, vector<16xi32>], vector<16xf32>,
      %gather3A_1044 = tpu.vector_load_idx %arg9[%broadcast_in_dim3A_1039, %iota3A_1, %broadcast_in_dim3A_1037] : memref<8x32x128xf32, #tpu.memory_space<vmem>>[vector<16xi32>, vector<16xi32>, vector<16xi32>], vector<16xf32>,
      %sub3A_1045 = arith.subf %gather3A_1043, %gather3A_1044 : vector<16xf32>
      %mul3A_1046 = arith.mulf %gather3A_1042, %sub3A_1045 : vector<16xf32>
      %add3A_1047 = arith.addf %broadcast_in_dim3A_1041, %mul3A_1046 : vector<16xf32>
      %gather3A_1048 = tpu.vector_load_idx %arg7[%broadcast_in_dim3A_1039, %add3A_4, %broadcast_in_dim3A_1027] : memref<8x32x128xf32, #tpu.memory_space<vmem>>[vector<16xi32>, vector<16xi32>, vector<16xi32>], vector<16xf32>,
      %gather3A_1049 = tpu.vector_load_idx %arg8[%broadcast_in_dim3A_1039, %add3A_4, %broadcast_in_dim3A_1032] : memref<8x32x128xf32, #tpu.memory_space<vmem>>[vector<16xi32>, vector<16xi32>, vector<16xi32>], vector<16xf32>,
      %gather3A_1050 = tpu.vector_load_idx %arg9[%broadcast_in_dim3A_1039, %add3A_4, %broadcast_in_dim3A_1037] : memref<8x32x128xf32, #tpu.memory_space<vmem>>[vector<16xi32>, vector<16xi32>, vector<16xi32>], vector<16xf32>,
      %sub3A_1051 = arith.subf %gather3A_1049, %gather3A_1050 : vector<16xf32>
      %mul3A_1052 = arith.mulf %gather3A_1048, %sub3A_1051 : vector<16xf32>
      %add3A_1053 = arith.addf %add3A_1047, %mul3A_1052 : vector<16xf32>
      %reduce_sum3A_1054 = arith.constant true
      %reduce_sum3A_1055 = vector.broadcast %reduce_sum3A_1054 : i1 to vector<16xi1>
      %reduce_sum3A_1056 = tpu.scan <sum>, %add3A_1053 masked %reduce_sum3A_1055 : vector<16xf32>, vector<16xi1> -> vector<16xf32>
      %reduce_sum3A_1057 = vector.extract %reduce_sum3A_1056[15] : f32 from vector<16xf32>
      %jit3A_1058 = arith.constant 2 : i32
      %eq3A_1059 = arith.constant 0 : i32
      %eq3A_1060 = arith.cmpi eq, %jit3A_1058, %eq3A_1059 : i32
      %jit3A_1061 = arith.constant 1 : i32
      %select_n3A_1062 = arith.select %eq3A_1060, %jit3A_1061, %jit3A_1058 : i32
      %rem3A_1063 = arith.remsi %scan3A_13, %select_n3A_1062 : i32
      %ne3A_1064 = arith.constant 0 : i32
      %ne3A_1065 = arith.cmpi ne, %rem3A_1063, %ne3A_1064 : i32
      %lt3A_1066 = arith.constant 0 : i32
      %lt3A_1067 = arith.cmpi slt, %rem3A_1063, %lt3A_1066 : i32
      %lt3A_1068 = arith.constant 0 : i32
      %lt3A_1069 = arith.cmpi slt, %select_n3A_1062, %lt3A_1068 : i32
      %ne3A_1070 = arith.xori %lt3A_1067, %lt3A_1069 : i1
      %and3A_1071 = arith.andi %ne3A_1070, %ne3A_1065 : i1
      %add3A_1072 = arith.addi %rem3A_1063, %select_n3A_1062 : i32
      %select_n3A_1073 = arith.select %and3A_1071, %add3A_1072, %rem3A_1063 : i32
      %mul3A_1074 = arith.constant 8 : i32
      %mul3A_1075 = arith.muli %select_n3A_1073, %mul3A_1074 : i32
      %add3A_1076 = arith.constant 1 : i32
      %add3A_1077 = arith.addi %mul3A_1075, %add3A_1076 : i32
      %eq3A_1078 = vector.broadcast %add3A_1077 : i32 to vector<16xi32>
      %eq3A_1079 = arith.cmpi eq, %iota3A, %eq3A_1078 : vector<16xi32>
      %broadcast_in_dim3A_1080 = vector.broadcast %reduce_sum3A_1057 : f32 to vector<16xf32>
      %select_n3A_1081 = arith.select %eq3A_1079, %broadcast_in_dim3A_1080, %select_n3A_1022 : vector<16xi1>, vector<16xf32>
      %slice3A_1082 = vector.extract_strided_slice %get3A_16 {offsets = [2], sizes = [1], strides = [1]} : vector<16xi32> to vector<1xi32>
      %squeeze3A_1083 = vector.extract %slice3A_1082[0] : i32 from vector<1xi32>
      %and3A_1084 = arith.constant 127 : i32
      %and3A_1085 = arith.andi %squeeze3A_1083, %and3A_1084 : i32
      %broadcast_in_dim3A_1086 = vector.broadcast %and3A_1085 : i32 to vector<16xi32>
      %slice3A_1087 = vector.extract_strided_slice %get3A_19 {offsets = [2], sizes = [1], strides = [1]} : vector<16xi32> to vector<1xi32>
      %squeeze3A_1088 = vector.extract %slice3A_1087[0] : i32 from vector<1xi32>
      %and3A_1089 = arith.constant 127 : i32
      %and3A_1090 = arith.andi %squeeze3A_1088, %and3A_1089 : i32
      %broadcast_in_dim3A_1091 = vector.broadcast %and3A_1090 : i32 to vector<16xi32>
      %slice3A_1092 = vector.extract_strided_slice %get3A_19 {offsets = [10], sizes = [1], strides = [1]} : vector<16xi32> to vector<1xi32>
      %squeeze3A_1093 = vector.extract %slice3A_1092[0] : i32 from vector<1xi32>
      %and3A_1094 = arith.constant 127 : i32
      %and3A_1095 = arith.andi %squeeze3A_1093, %and3A_1094 : i32
      %broadcast_in_dim3A_1096 = vector.broadcast %and3A_1095 : i32 to vector<16xi32>
      %broadcast_in_dim3A_1097 = arith.constant 2 : i32
      %broadcast_in_dim3A_1098 = vector.broadcast %broadcast_in_dim3A_1097 : i32 to vector<16xi32>
      %broadcast_in_dim3A_1099 = arith.constant 0.000000e+00 : f32
      %broadcast_in_dim3A_1100 = vector.broadcast %broadcast_in_dim3A_1099 : f32 to vector<16xf32>
      %gather3A_1101 = tpu.vector_load_idx %arg7[%broadcast_in_dim3A_1098, %iota3A_1, %broadcast_in_dim3A_1086] : memref<8x32x128xf32, #tpu.memory_space<vmem>>[vector<16xi32>, vector<16xi32>, vector<16xi32>], vector<16xf32>,
      %gather3A_1102 = tpu.vector_load_idx %arg8[%broadcast_in_dim3A_1098, %iota3A_1, %broadcast_in_dim3A_1091] : memref<8x32x128xf32, #tpu.memory_space<vmem>>[vector<16xi32>, vector<16xi32>, vector<16xi32>], vector<16xf32>,
      %gather3A_1103 = tpu.vector_load_idx %arg9[%broadcast_in_dim3A_1098, %iota3A_1, %broadcast_in_dim3A_1096] : memref<8x32x128xf32, #tpu.memory_space<vmem>>[vector<16xi32>, vector<16xi32>, vector<16xi32>], vector<16xf32>,
      %sub3A_1104 = arith.subf %gather3A_1102, %gather3A_1103 : vector<16xf32>
      %mul3A_1105 = arith.mulf %gather3A_1101, %sub3A_1104 : vector<16xf32>
      %add3A_1106 = arith.addf %broadcast_in_dim3A_1100, %mul3A_1105 : vector<16xf32>
      %gather3A_1107 = tpu.vector_load_idx %arg7[%broadcast_in_dim3A_1098, %add3A_4, %broadcast_in_dim3A_1086] : memref<8x32x128xf32, #tpu.memory_space<vmem>>[vector<16xi32>, vector<16xi32>, vector<16xi32>], vector<16xf32>,
      %gather3A_1108 = tpu.vector_load_idx %arg8[%broadcast_in_dim3A_1098, %add3A_4, %broadcast_in_dim3A_1091] : memref<8x32x128xf32, #tpu.memory_space<vmem>>[vector<16xi32>, vector<16xi32>, vector<16xi32>], vector<16xf32>,
      %gather3A_1109 = tpu.vector_load_idx %arg9[%broadcast_in_dim3A_1098, %add3A_4, %broadcast_in_dim3A_1096] : memref<8x32x128xf32, #tpu.memory_space<vmem>>[vector<16xi32>, vector<16xi32>, vector<16xi32>], vector<16xf32>,
      %sub3A_1110 = arith.subf %gather3A_1108, %gather3A_1109 : vector<16xf32>
      %mul3A_1111 = arith.mulf %gather3A_1107, %sub3A_1110 : vector<16xf32>
      %add3A_1112 = arith.addf %add3A_1106, %mul3A_1111 : vector<16xf32>
      %reduce_sum3A_1113 = arith.constant true
      %reduce_sum3A_1114 = vector.broadcast %reduce_sum3A_1113 : i1 to vector<16xi1>
      %reduce_sum3A_1115 = tpu.scan <sum>, %add3A_1112 masked %reduce_sum3A_1114 : vector<16xf32>, vector<16xi1> -> vector<16xf32>
      %reduce_sum3A_1116 = vector.extract %reduce_sum3A_1115[15] : f32 from vector<16xf32>
      %jit3A_1117 = arith.constant 2 : i32
      %eq3A_1118 = arith.constant 0 : i32
      %eq3A_1119 = arith.cmpi eq, %jit3A_1117, %eq3A_1118 : i32
      %jit3A_1120 = arith.constant 1 : i32
      %select_n3A_1121 = arith.select %eq3A_1119, %jit3A_1120, %jit3A_1117 : i32
      %rem3A_1122 = arith.remsi %scan3A_13, %select_n3A_1121 : i32
      %ne3A_1123 = arith.constant 0 : i32
      %ne3A_1124 = arith.cmpi ne, %rem3A_1122, %ne3A_1123 : i32
      %lt3A_1125 = arith.constant 0 : i32
      %lt3A_1126 = arith.cmpi slt, %rem3A_1122, %lt3A_1125 : i32
      %lt3A_1127 = arith.constant 0 : i32
      %lt3A_1128 = arith.cmpi slt, %select_n3A_1121, %lt3A_1127 : i32
      %ne3A_1129 = arith.xori %lt3A_1126, %lt3A_1128 : i1
      %and3A_1130 = arith.andi %ne3A_1129, %ne3A_1124 : i1
      %add3A_1131 = arith.addi %rem3A_1122, %select_n3A_1121 : i32
      %select_n3A_1132 = arith.select %and3A_1130, %add3A_1131, %rem3A_1122 : i32
      %mul3A_1133 = arith.constant 8 : i32
      %mul3A_1134 = arith.muli %select_n3A_1132, %mul3A_1133 : i32
      %add3A_1135 = arith.constant 2 : i32
      %add3A_1136 = arith.addi %mul3A_1134, %add3A_1135 : i32
      %eq3A_1137 = vector.broadcast %add3A_1136 : i32 to vector<16xi32>
      %eq3A_1138 = arith.cmpi eq, %iota3A, %eq3A_1137 : vector<16xi32>
      %broadcast_in_dim3A_1139 = vector.broadcast %reduce_sum3A_1116 : f32 to vector<16xf32>
      %select_n3A_1140 = arith.select %eq3A_1138, %broadcast_in_dim3A_1139, %select_n3A_1081 : vector<16xi1>, vector<16xf32>
      %slice3A_1141 = vector.extract_strided_slice %get3A_16 {offsets = [3], sizes = [1], strides = [1]} : vector<16xi32> to vector<1xi32>
      %squeeze3A_1142 = vector.extract %slice3A_1141[0] : i32 from vector<1xi32>
      %and3A_1143 = arith.constant 127 : i32
      %and3A_1144 = arith.andi %squeeze3A_1142, %and3A_1143 : i32
      %broadcast_in_dim3A_1145 = vector.broadcast %and3A_1144 : i32 to vector<16xi32>
      %slice3A_1146 = vector.extract_strided_slice %get3A_19 {offsets = [3], sizes = [1], strides = [1]} : vector<16xi32> to vector<1xi32>
      %squeeze3A_1147 = vector.extract %slice3A_1146[0] : i32 from vector<1xi32>
      %and3A_1148 = arith.constant 127 : i32
      %and3A_1149 = arith.andi %squeeze3A_1147, %and3A_1148 : i32
      %broadcast_in_dim3A_1150 = vector.broadcast %and3A_1149 : i32 to vector<16xi32>
      %slice3A_1151 = vector.extract_strided_slice %get3A_19 {offsets = [11], sizes = [1], strides = [1]} : vector<16xi32> to vector<1xi32>
      %squeeze3A_1152 = vector.extract %slice3A_1151[0] : i32 from vector<1xi32>
      %and3A_1153 = arith.constant 127 : i32
      %and3A_1154 = arith.andi %squeeze3A_1152, %and3A_1153 : i32
      %broadcast_in_dim3A_1155 = vector.broadcast %and3A_1154 : i32 to vector<16xi32>
      %broadcast_in_dim3A_1156 = arith.constant 3 : i32
      %broadcast_in_dim3A_1157 = vector.broadcast %broadcast_in_dim3A_1156 : i32 to vector<16xi32>
      %broadcast_in_dim3A_1158 = arith.constant 0.000000e+00 : f32
      %broadcast_in_dim3A_1159 = vector.broadcast %broadcast_in_dim3A_1158 : f32 to vector<16xf32>
      %gather3A_1160 = tpu.vector_load_idx %arg7[%broadcast_in_dim3A_1157, %iota3A_1, %broadcast_in_dim3A_1145] : memref<8x32x128xf32, #tpu.memory_space<vmem>>[vector<16xi32>, vector<16xi32>, vector<16xi32>], vector<16xf32>,
      %gather3A_1161 = tpu.vector_load_idx %arg8[%broadcast_in_dim3A_1157, %iota3A_1, %broadcast_in_dim3A_1150] : memref<8x32x128xf32, #tpu.memory_space<vmem>>[vector<16xi32>, vector<16xi32>, vector<16xi32>], vector<16xf32>,
      %gather3A_1162 = tpu.vector_load_idx %arg9[%broadcast_in_dim3A_1157, %iota3A_1, %broadcast_in_dim3A_1155] : memref<8x32x128xf32, #tpu.memory_space<vmem>>[vector<16xi32>, vector<16xi32>, vector<16xi32>], vector<16xf32>,
      %sub3A_1163 = arith.subf %gather3A_1161, %gather3A_1162 : vector<16xf32>
      %mul3A_1164 = arith.mulf %gather3A_1160, %sub3A_1163 : vector<16xf32>
      %add3A_1165 = arith.addf %broadcast_in_dim3A_1159, %mul3A_1164 : vector<16xf32>
      %gather3A_1166 = tpu.vector_load_idx %arg7[%broadcast_in_dim3A_1157, %add3A_4, %broadcast_in_dim3A_1145] : memref<8x32x128xf32, #tpu.memory_space<vmem>>[vector<16xi32>, vector<16xi32>, vector<16xi32>], vector<16xf32>,
      %gather3A_1167 = tpu.vector_load_idx %arg8[%broadcast_in_dim3A_1157, %add3A_4, %broadcast_in_dim3A_1150] : memref<8x32x128xf32, #tpu.memory_space<vmem>>[vector<16xi32>, vector<16xi32>, vector<16xi32>], vector<16xf32>,
      %gather3A_1168 = tpu.vector_load_idx %arg9[%broadcast_in_dim3A_1157, %add3A_4, %broadcast_in_dim3A_1155] : memref<8x32x128xf32, #tpu.memory_space<vmem>>[vector<16xi32>, vector<16xi32>, vector<16xi32>], vector<16xf32>,
      %sub3A_1169 = arith.subf %gather3A_1167, %gather3A_1168 : vector<16xf32>
      %mul3A_1170 = arith.mulf %gather3A_1166, %sub3A_1169 : vector<16xf32>
      %add3A_1171 = arith.addf %add3A_1165, %mul3A_1170 : vector<16xf32>
      %reduce_sum3A_1172 = arith.constant true
      %reduce_sum3A_1173 = vector.broadcast %reduce_sum3A_1172 : i1 to vector<16xi1>
      %reduce_sum3A_1174 = tpu.scan <sum>, %add3A_1171 masked %reduce_sum3A_1173 : vector<16xf32>, vector<16xi1> -> vector<16xf32>
      %reduce_sum3A_1175 = vector.extract %reduce_sum3A_1174[15] : f32 from vector<16xf32>
      %jit3A_1176 = arith.constant 2 : i32
      %eq3A_1177 = arith.constant 0 : i32
      %eq3A_1178 = arith.cmpi eq, %jit3A_1176, %eq3A_1177 : i32
      %jit3A_1179 = arith.constant 1 : i32
      %select_n3A_1180 = arith.select %eq3A_1178, %jit3A_1179, %jit3A_1176 : i32
      %rem3A_1181 = arith.remsi %scan3A_13, %select_n3A_1180 : i32
      %ne3A_1182 = arith.constant 0 : i32
      %ne3A_1183 = arith.cmpi ne, %rem3A_1181, %ne3A_1182 : i32
      %lt3A_1184 = arith.constant 0 : i32
      %lt3A_1185 = arith.cmpi slt, %rem3A_1181, %lt3A_1184 : i32
      %lt3A_1186 = arith.constant 0 : i32
      %lt3A_1187 = arith.cmpi slt, %select_n3A_1180, %lt3A_1186 : i32
      %ne3A_1188 = arith.xori %lt3A_1185, %lt3A_1187 : i1
      %and3A_1189 = arith.andi %ne3A_1188, %ne3A_1183 : i1
      %add3A_1190 = arith.addi %rem3A_1181, %select_n3A_1180 : i32
      %select_n3A_1191 = arith.select %and3A_1189, %add3A_1190, %rem3A_1181 : i32
      %mul3A_1192 = arith.constant 8 : i32
      %mul3A_1193 = arith.muli %select_n3A_1191, %mul3A_1192 : i32
      %add3A_1194 = arith.constant 3 : i32
      %add3A_1195 = arith.addi %mul3A_1193, %add3A_1194 : i32
      %eq3A_1196 = vector.broadcast %add3A_1195 : i32 to vector<16xi32>
      %eq3A_1197 = arith.cmpi eq, %iota3A, %eq3A_1196 : vector<16xi32>
      %broadcast_in_dim3A_1198 = vector.broadcast %reduce_sum3A_1175 : f32 to vector<16xf32>
      %select_n3A_1199 = arith.select %eq3A_1197, %broadcast_in_dim3A_1198, %select_n3A_1140 : vector<16xi1>, vector<16xf32>
      %slice3A_1200 = vector.extract_strided_slice %get3A_16 {offsets = [4], sizes = [1], strides = [1]} : vector<16xi32> to vector<1xi32>
      %squeeze3A_1201 = vector.extract %slice3A_1200[0] : i32 from vector<1xi32>
      %and3A_1202 = arith.constant 127 : i32
      %and3A_1203 = arith.andi %squeeze3A_1201, %and3A_1202 : i32
      %broadcast_in_dim3A_1204 = vector.broadcast %and3A_1203 : i32 to vector<16xi32>
      %slice3A_1205 = vector.extract_strided_slice %get3A_19 {offsets = [4], sizes = [1], strides = [1]} : vector<16xi32> to vector<1xi32>
      %squeeze3A_1206 = vector.extract %slice3A_1205[0] : i32 from vector<1xi32>
      %and3A_1207 = arith.constant 127 : i32
      %and3A_1208 = arith.andi %squeeze3A_1206, %and3A_1207 : i32
      %broadcast_in_dim3A_1209 = vector.broadcast %and3A_1208 : i32 to vector<16xi32>
      %slice3A_1210 = vector.extract_strided_slice %get3A_19 {offsets = [12], sizes = [1], strides = [1]} : vector<16xi32> to vector<1xi32>
      %squeeze3A_1211 = vector.extract %slice3A_1210[0] : i32 from vector<1xi32>
      %and3A_1212 = arith.constant 127 : i32
      %and3A_1213 = arith.andi %squeeze3A_1211, %and3A_1212 : i32
      %broadcast_in_dim3A_1214 = vector.broadcast %and3A_1213 : i32 to vector<16xi32>
      %broadcast_in_dim3A_1215 = arith.constant 4 : i32
      %broadcast_in_dim3A_1216 = vector.broadcast %broadcast_in_dim3A_1215 : i32 to vector<16xi32>
      %broadcast_in_dim3A_1217 = arith.constant 0.000000e+00 : f32
      %broadcast_in_dim3A_1218 = vector.broadcast %broadcast_in_dim3A_1217 : f32 to vector<16xf32>
      %gather3A_1219 = tpu.vector_load_idx %arg7[%broadcast_in_dim3A_1216, %iota3A_1, %broadcast_in_dim3A_1204] : memref<8x32x128xf32, #tpu.memory_space<vmem>>[vector<16xi32>, vector<16xi32>, vector<16xi32>], vector<16xf32>,
      %gather3A_1220 = tpu.vector_load_idx %arg8[%broadcast_in_dim3A_1216, %iota3A_1, %broadcast_in_dim3A_1209] : memref<8x32x128xf32, #tpu.memory_space<vmem>>[vector<16xi32>, vector<16xi32>, vector<16xi32>], vector<16xf32>,
      %gather3A_1221 = tpu.vector_load_idx %arg9[%broadcast_in_dim3A_1216, %iota3A_1, %broadcast_in_dim3A_1214] : memref<8x32x128xf32, #tpu.memory_space<vmem>>[vector<16xi32>, vector<16xi32>, vector<16xi32>], vector<16xf32>,
      %sub3A_1222 = arith.subf %gather3A_1220, %gather3A_1221 : vector<16xf32>
      %mul3A_1223 = arith.mulf %gather3A_1219, %sub3A_1222 : vector<16xf32>
      %add3A_1224 = arith.addf %broadcast_in_dim3A_1218, %mul3A_1223 : vector<16xf32>
      %gather3A_1225 = tpu.vector_load_idx %arg7[%broadcast_in_dim3A_1216, %add3A_4, %broadcast_in_dim3A_1204] : memref<8x32x128xf32, #tpu.memory_space<vmem>>[vector<16xi32>, vector<16xi32>, vector<16xi32>], vector<16xf32>,
      %gather3A_1226 = tpu.vector_load_idx %arg8[%broadcast_in_dim3A_1216, %add3A_4, %broadcast_in_dim3A_1209] : memref<8x32x128xf32, #tpu.memory_space<vmem>>[vector<16xi32>, vector<16xi32>, vector<16xi32>], vector<16xf32>,
      %gather3A_1227 = tpu.vector_load_idx %arg9[%broadcast_in_dim3A_1216, %add3A_4, %broadcast_in_dim3A_1214] : memref<8x32x128xf32, #tpu.memory_space<vmem>>[vector<16xi32>, vector<16xi32>, vector<16xi32>], vector<16xf32>,
      %sub3A_1228 = arith.subf %gather3A_1226, %gather3A_1227 : vector<16xf32>
      %mul3A_1229 = arith.mulf %gather3A_1225, %sub3A_1228 : vector<16xf32>
      %add3A_1230 = arith.addf %add3A_1224, %mul3A_1229 : vector<16xf32>
      %reduce_sum3A_1231 = arith.constant true
      %reduce_sum3A_1232 = vector.broadcast %reduce_sum3A_1231 : i1 to vector<16xi1>
      %reduce_sum3A_1233 = tpu.scan <sum>, %add3A_1230 masked %reduce_sum3A_1232 : vector<16xf32>, vector<16xi1> -> vector<16xf32>
      %reduce_sum3A_1234 = vector.extract %reduce_sum3A_1233[15] : f32 from vector<16xf32>
      %jit3A_1235 = arith.constant 2 : i32
      %eq3A_1236 = arith.constant 0 : i32
      %eq3A_1237 = arith.cmpi eq, %jit3A_1235, %eq3A_1236 : i32
      %jit3A_1238 = arith.constant 1 : i32
      %select_n3A_1239 = arith.select %eq3A_1237, %jit3A_1238, %jit3A_1235 : i32
      %rem3A_1240 = arith.remsi %scan3A_13, %select_n3A_1239 : i32
      %ne3A_1241 = arith.constant 0 : i32
      %ne3A_1242 = arith.cmpi ne, %rem3A_1240, %ne3A_1241 : i32
      %lt3A_1243 = arith.constant 0 : i32
      %lt3A_1244 = arith.cmpi slt, %rem3A_1240, %lt3A_1243 : i32
      %lt3A_1245 = arith.constant 0 : i32
      %lt3A_1246 = arith.cmpi slt, %select_n3A_1239, %lt3A_1245 : i32
      %ne3A_1247 = arith.xori %lt3A_1244, %lt3A_1246 : i1
      %and3A_1248 = arith.andi %ne3A_1247, %ne3A_1242 : i1
      %add3A_1249 = arith.addi %rem3A_1240, %select_n3A_1239 : i32
      %select_n3A_1250 = arith.select %and3A_1248, %add3A_1249, %rem3A_1240 : i32
      %mul3A_1251 = arith.constant 8 : i32
      %mul3A_1252 = arith.muli %select_n3A_1250, %mul3A_1251 : i32
      %add3A_1253 = arith.constant 4 : i32
      %add3A_1254 = arith.addi %mul3A_1252, %add3A_1253 : i32
      %eq3A_1255 = vector.broadcast %add3A_1254 : i32 to vector<16xi32>
      %eq3A_1256 = arith.cmpi eq, %iota3A, %eq3A_1255 : vector<16xi32>
      %broadcast_in_dim3A_1257 = vector.broadcast %reduce_sum3A_1234 : f32 to vector<16xf32>
      %select_n3A_1258 = arith.select %eq3A_1256, %broadcast_in_dim3A_1257, %select_n3A_1199 : vector<16xi1>, vector<16xf32>
      %slice3A_1259 = vector.extract_strided_slice %get3A_16 {offsets = [5], sizes = [1], strides = [1]} : vector<16xi32> to vector<1xi32>
      %squeeze3A_1260 = vector.extract %slice3A_1259[0] : i32 from vector<1xi32>
      %and3A_1261 = arith.constant 127 : i32
      %and3A_1262 = arith.andi %squeeze3A_1260, %and3A_1261 : i32
      %broadcast_in_dim3A_1263 = vector.broadcast %and3A_1262 : i32 to vector<16xi32>
      %slice3A_1264 = vector.extract_strided_slice %get3A_19 {offsets = [5], sizes = [1], strides = [1]} : vector<16xi32> to vector<1xi32>
      %squeeze3A_1265 = vector.extract %slice3A_1264[0] : i32 from vector<1xi32>
      %and3A_1266 = arith.constant 127 : i32
      %and3A_1267 = arith.andi %squeeze3A_1265, %and3A_1266 : i32
      %broadcast_in_dim3A_1268 = vector.broadcast %and3A_1267 : i32 to vector<16xi32>
      %slice3A_1269 = vector.extract_strided_slice %get3A_19 {offsets = [13], sizes = [1], strides = [1]} : vector<16xi32> to vector<1xi32>
      %squeeze3A_1270 = vector.extract %slice3A_1269[0] : i32 from vector<1xi32>
      %and3A_1271 = arith.constant 127 : i32
      %and3A_1272 = arith.andi %squeeze3A_1270, %and3A_1271 : i32
      %broadcast_in_dim3A_1273 = vector.broadcast %and3A_1272 : i32 to vector<16xi32>
      %broadcast_in_dim3A_1274 = arith.constant 5 : i32
      %broadcast_in_dim3A_1275 = vector.broadcast %broadcast_in_dim3A_1274 : i32 to vector<16xi32>
      %broadcast_in_dim3A_1276 = arith.constant 0.000000e+00 : f32
      %broadcast_in_dim3A_1277 = vector.broadcast %broadcast_in_dim3A_1276 : f32 to vector<16xf32>
      %gather3A_1278 = tpu.vector_load_idx %arg7[%broadcast_in_dim3A_1275, %iota3A_1, %broadcast_in_dim3A_1263] : memref<8x32x128xf32, #tpu.memory_space<vmem>>[vector<16xi32>, vector<16xi32>, vector<16xi32>], vector<16xf32>,
      %gather3A_1279 = tpu.vector_load_idx %arg8[%broadcast_in_dim3A_1275, %iota3A_1, %broadcast_in_dim3A_1268] : memref<8x32x128xf32, #tpu.memory_space<vmem>>[vector<16xi32>, vector<16xi32>, vector<16xi32>], vector<16xf32>,
      %gather3A_1280 = tpu.vector_load_idx %arg9[%broadcast_in_dim3A_1275, %iota3A_1, %broadcast_in_dim3A_1273] : memref<8x32x128xf32, #tpu.memory_space<vmem>>[vector<16xi32>, vector<16xi32>, vector<16xi32>], vector<16xf32>,
      %sub3A_1281 = arith.subf %gather3A_1279, %gather3A_1280 : vector<16xf32>
      %mul3A_1282 = arith.mulf %gather3A_1278, %sub3A_1281 : vector<16xf32>
      %add3A_1283 = arith.addf %broadcast_in_dim3A_1277, %mul3A_1282 : vector<16xf32>
      %gather3A_1284 = tpu.vector_load_idx %arg7[%broadcast_in_dim3A_1275, %add3A_4, %broadcast_in_dim3A_1263] : memref<8x32x128xf32, #tpu.memory_space<vmem>>[vector<16xi32>, vector<16xi32>, vector<16xi32>], vector<16xf32>,
      %gather3A_1285 = tpu.vector_load_idx %arg8[%broadcast_in_dim3A_1275, %add3A_4, %broadcast_in_dim3A_1268] : memref<8x32x128xf32, #tpu.memory_space<vmem>>[vector<16xi32>, vector<16xi32>, vector<16xi32>], vector<16xf32>,
      %gather3A_1286 = tpu.vector_load_idx %arg9[%broadcast_in_dim3A_1275, %add3A_4, %broadcast_in_dim3A_1273] : memref<8x32x128xf32, #tpu.memory_space<vmem>>[vector<16xi32>, vector<16xi32>, vector<16xi32>], vector<16xf32>,
      %sub3A_1287 = arith.subf %gather3A_1285, %gather3A_1286 : vector<16xf32>
      %mul3A_1288 = arith.mulf %gather3A_1284, %sub3A_1287 : vector<16xf32>
      %add3A_1289 = arith.addf %add3A_1283, %mul3A_1288 : vector<16xf32>
      %reduce_sum3A_1290 = arith.constant true
      %reduce_sum3A_1291 = vector.broadcast %reduce_sum3A_1290 : i1 to vector<16xi1>
      %reduce_sum3A_1292 = tpu.scan <sum>, %add3A_1289 masked %reduce_sum3A_1291 : vector<16xf32>, vector<16xi1> -> vector<16xf32>
      %reduce_sum3A_1293 = vector.extract %reduce_sum3A_1292[15] : f32 from vector<16xf32>
      %jit3A_1294 = arith.constant 2 : i32
      %eq3A_1295 = arith.constant 0 : i32
      %eq3A_1296 = arith.cmpi eq, %jit3A_1294, %eq3A_1295 : i32
      %jit3A_1297 = arith.constant 1 : i32
      %select_n3A_1298 = arith.select %eq3A_1296, %jit3A_1297, %jit3A_1294 : i32
      %rem3A_1299 = arith.remsi %scan3A_13, %select_n3A_1298 : i32
      %ne3A_1300 = arith.constant 0 : i32
      %ne3A_1301 = arith.cmpi ne, %rem3A_1299, %ne3A_1300 : i32
      %lt3A_1302 = arith.constant 0 : i32
      %lt3A_1303 = arith.cmpi slt, %rem3A_1299, %lt3A_1302 : i32
      %lt3A_1304 = arith.constant 0 : i32
      %lt3A_1305 = arith.cmpi slt, %select_n3A_1298, %lt3A_1304 : i32
      %ne3A_1306 = arith.xori %lt3A_1303, %lt3A_1305 : i1
      %and3A_1307 = arith.andi %ne3A_1306, %ne3A_1301 : i1
      %add3A_1308 = arith.addi %rem3A_1299, %select_n3A_1298 : i32
      %select_n3A_1309 = arith.select %and3A_1307, %add3A_1308, %rem3A_1299 : i32
      %mul3A_1310 = arith.constant 8 : i32
      %mul3A_1311 = arith.muli %select_n3A_1309, %mul3A_1310 : i32
      %add3A_1312 = arith.constant 5 : i32
      %add3A_1313 = arith.addi %mul3A_1311, %add3A_1312 : i32
      %eq3A_1314 = vector.broadcast %add3A_1313 : i32 to vector<16xi32>
      %eq3A_1315 = arith.cmpi eq, %iota3A, %eq3A_1314 : vector<16xi32>
      %broadcast_in_dim3A_1316 = vector.broadcast %reduce_sum3A_1293 : f32 to vector<16xf32>
      %select_n3A_1317 = arith.select %eq3A_1315, %broadcast_in_dim3A_1316, %select_n3A_1258 : vector<16xi1>, vector<16xf32>
      %slice3A_1318 = vector.extract_strided_slice %get3A_16 {offsets = [6], sizes = [1], strides = [1]} : vector<16xi32> to vector<1xi32>
      %squeeze3A_1319 = vector.extract %slice3A_1318[0] : i32 from vector<1xi32>
      %and3A_1320 = arith.constant 127 : i32
      %and3A_1321 = arith.andi %squeeze3A_1319, %and3A_1320 : i32
      %broadcast_in_dim3A_1322 = vector.broadcast %and3A_1321 : i32 to vector<16xi32>
      %slice3A_1323 = vector.extract_strided_slice %get3A_19 {offsets = [6], sizes = [1], strides = [1]} : vector<16xi32> to vector<1xi32>
      %squeeze3A_1324 = vector.extract %slice3A_1323[0] : i32 from vector<1xi32>
      %and3A_1325 = arith.constant 127 : i32
      %and3A_1326 = arith.andi %squeeze3A_1324, %and3A_1325 : i32
      %broadcast_in_dim3A_1327 = vector.broadcast %and3A_1326 : i32 to vector<16xi32>
      %slice3A_1328 = vector.extract_strided_slice %get3A_19 {offsets = [14], sizes = [1], strides = [1]} : vector<16xi32> to vector<1xi32>
      %squeeze3A_1329 = vector.extract %slice3A_1328[0] : i32 from vector<1xi32>
      %and3A_1330 = arith.constant 127 : i32
      %and3A_1331 = arith.andi %squeeze3A_1329, %and3A_1330 : i32
      %broadcast_in_dim3A_1332 = vector.broadcast %and3A_1331 : i32 to vector<16xi32>
      %broadcast_in_dim3A_1333 = arith.constant 6 : i32
      %broadcast_in_dim3A_1334 = vector.broadcast %broadcast_in_dim3A_1333 : i32 to vector<16xi32>
      %broadcast_in_dim3A_1335 = arith.constant 0.000000e+00 : f32
      %broadcast_in_dim3A_1336 = vector.broadcast %broadcast_in_dim3A_1335 : f32 to vector<16xf32>
      %gather3A_1337 = tpu.vector_load_idx %arg7[%broadcast_in_dim3A_1334, %iota3A_1, %broadcast_in_dim3A_1322] : memref<8x32x128xf32, #tpu.memory_space<vmem>>[vector<16xi32>, vector<16xi32>, vector<16xi32>], vector<16xf32>,
      %gather3A_1338 = tpu.vector_load_idx %arg8[%broadcast_in_dim3A_1334, %iota3A_1, %broadcast_in_dim3A_1327] : memref<8x32x128xf32, #tpu.memory_space<vmem>>[vector<16xi32>, vector<16xi32>, vector<16xi32>], vector<16xf32>,
      %gather3A_1339 = tpu.vector_load_idx %arg9[%broadcast_in_dim3A_1334, %iota3A_1, %broadcast_in_dim3A_1332] : memref<8x32x128xf32, #tpu.memory_space<vmem>>[vector<16xi32>, vector<16xi32>, vector<16xi32>], vector<16xf32>,
      %sub3A_1340 = arith.subf %gather3A_1338, %gather3A_1339 : vector<16xf32>
      %mul3A_1341 = arith.mulf %gather3A_1337, %sub3A_1340 : vector<16xf32>
      %add3A_1342 = arith.addf %broadcast_in_dim3A_1336, %mul3A_1341 : vector<16xf32>
      %gather3A_1343 = tpu.vector_load_idx %arg7[%broadcast_in_dim3A_1334, %add3A_4, %broadcast_in_dim3A_1322] : memref<8x32x128xf32, #tpu.memory_space<vmem>>[vector<16xi32>, vector<16xi32>, vector<16xi32>], vector<16xf32>,
      %gather3A_1344 = tpu.vector_load_idx %arg8[%broadcast_in_dim3A_1334, %add3A_4, %broadcast_in_dim3A_1327] : memref<8x32x128xf32, #tpu.memory_space<vmem>>[vector<16xi32>, vector<16xi32>, vector<16xi32>], vector<16xf32>,
      %gather3A_1345 = tpu.vector_load_idx %arg9[%broadcast_in_dim3A_1334, %add3A_4, %broadcast_in_dim3A_1332] : memref<8x32x128xf32, #tpu.memory_space<vmem>>[vector<16xi32>, vector<16xi32>, vector<16xi32>], vector<16xf32>,
      %sub3A_1346 = arith.subf %gather3A_1344, %gather3A_1345 : vector<16xf32>
      %mul3A_1347 = arith.mulf %gather3A_1343, %sub3A_1346 : vector<16xf32>
      %add3A_1348 = arith.addf %add3A_1342, %mul3A_1347 : vector<16xf32>
      %reduce_sum3A_1349 = arith.constant true
      %reduce_sum3A_1350 = vector.broadcast %reduce_sum3A_1349 : i1 to vector<16xi1>
      %reduce_sum3A_1351 = tpu.scan <sum>, %add3A_1348 masked %reduce_sum3A_1350 : vector<16xf32>, vector<16xi1> -> vector<16xf32>
      %reduce_sum3A_1352 = vector.extract %reduce_sum3A_1351[15] : f32 from vector<16xf32>
      %jit3A_1353 = arith.constant 2 : i32
      %eq3A_1354 = arith.constant 0 : i32
      %eq3A_1355 = arith.cmpi eq, %jit3A_1353, %eq3A_1354 : i32
      %jit3A_1356 = arith.constant 1 : i32
      %select_n3A_1357 = arith.select %eq3A_1355, %jit3A_1356, %jit3A_1353 : i32
      %rem3A_1358 = arith.remsi %scan3A_13, %select_n3A_1357 : i32
      %ne3A_1359 = arith.constant 0 : i32
      %ne3A_1360 = arith.cmpi ne, %rem3A_1358, %ne3A_1359 : i32
      %lt3A_1361 = arith.constant 0 : i32
      %lt3A_1362 = arith.cmpi slt, %rem3A_1358, %lt3A_1361 : i32
      %lt3A_1363 = arith.constant 0 : i32
      %lt3A_1364 = arith.cmpi slt, %select_n3A_1357, %lt3A_1363 : i32
      %ne3A_1365 = arith.xori %lt3A_1362, %lt3A_1364 : i1
      %and3A_1366 = arith.andi %ne3A_1365, %ne3A_1360 : i1
      %add3A_1367 = arith.addi %rem3A_1358, %select_n3A_1357 : i32
      %select_n3A_1368 = arith.select %and3A_1366, %add3A_1367, %rem3A_1358 : i32
      %mul3A_1369 = arith.constant 8 : i32
      %mul3A_1370 = arith.muli %select_n3A_1368, %mul3A_1369 : i32
      %add3A_1371 = arith.constant 6 : i32
      %add3A_1372 = arith.addi %mul3A_1370, %add3A_1371 : i32
      %eq3A_1373 = vector.broadcast %add3A_1372 : i32 to vector<16xi32>
      %eq3A_1374 = arith.cmpi eq, %iota3A, %eq3A_1373 : vector<16xi32>
      %broadcast_in_dim3A_1375 = vector.broadcast %reduce_sum3A_1352 : f32 to vector<16xf32>
      %select_n3A_1376 = arith.select %eq3A_1374, %broadcast_in_dim3A_1375, %select_n3A_1317 : vector<16xi1>, vector<16xf32>
      %slice3A_1377 = vector.extract_strided_slice %get3A_16 {offsets = [7], sizes = [1], strides = [1]} : vector<16xi32> to vector<1xi32>
      %squeeze3A_1378 = vector.extract %slice3A_1377[0] : i32 from vector<1xi32>
      %and3A_1379 = arith.constant 127 : i32
      %and3A_1380 = arith.andi %squeeze3A_1378, %and3A_1379 : i32
      %broadcast_in_dim3A_1381 = vector.broadcast %and3A_1380 : i32 to vector<16xi32>
      %slice3A_1382 = vector.extract_strided_slice %get3A_19 {offsets = [7], sizes = [1], strides = [1]} : vector<16xi32> to vector<1xi32>
      %squeeze3A_1383 = vector.extract %slice3A_1382[0] : i32 from vector<1xi32>
      %and3A_1384 = arith.constant 127 : i32
      %and3A_1385 = arith.andi %squeeze3A_1383, %and3A_1384 : i32
      %broadcast_in_dim3A_1386 = vector.broadcast %and3A_1385 : i32 to vector<16xi32>
      %slice3A_1387 = vector.extract_strided_slice %get3A_19 {offsets = [15], sizes = [1], strides = [1]} : vector<16xi32> to vector<1xi32>
      %squeeze3A_1388 = vector.extract %slice3A_1387[0] : i32 from vector<1xi32>
      %and3A_1389 = arith.constant 127 : i32
      %and3A_1390 = arith.andi %squeeze3A_1388, %and3A_1389 : i32
      %broadcast_in_dim3A_1391 = vector.broadcast %and3A_1390 : i32 to vector<16xi32>
      %broadcast_in_dim3A_1392 = arith.constant 7 : i32
      %broadcast_in_dim3A_1393 = vector.broadcast %broadcast_in_dim3A_1392 : i32 to vector<16xi32>
      %broadcast_in_dim3A_1394 = arith.constant 0.000000e+00 : f32
      %broadcast_in_dim3A_1395 = vector.broadcast %broadcast_in_dim3A_1394 : f32 to vector<16xf32>
      %gather3A_1396 = tpu.vector_load_idx %arg7[%broadcast_in_dim3A_1393, %iota3A_1, %broadcast_in_dim3A_1381] : memref<8x32x128xf32, #tpu.memory_space<vmem>>[vector<16xi32>, vector<16xi32>, vector<16xi32>], vector<16xf32>,
      %gather3A_1397 = tpu.vector_load_idx %arg8[%broadcast_in_dim3A_1393, %iota3A_1, %broadcast_in_dim3A_1386] : memref<8x32x128xf32, #tpu.memory_space<vmem>>[vector<16xi32>, vector<16xi32>, vector<16xi32>], vector<16xf32>,
      %gather3A_1398 = tpu.vector_load_idx %arg9[%broadcast_in_dim3A_1393, %iota3A_1, %broadcast_in_dim3A_1391] : memref<8x32x128xf32, #tpu.memory_space<vmem>>[vector<16xi32>, vector<16xi32>, vector<16xi32>], vector<16xf32>,
      %sub3A_1399 = arith.subf %gather3A_1397, %gather3A_1398 : vector<16xf32>
      %mul3A_1400 = arith.mulf %gather3A_1396, %sub3A_1399 : vector<16xf32>
      %add3A_1401 = arith.addf %broadcast_in_dim3A_1395, %mul3A_1400 : vector<16xf32>
      %gather3A_1402 = tpu.vector_load_idx %arg7[%broadcast_in_dim3A_1393, %add3A_4, %broadcast_in_dim3A_1381] : memref<8x32x128xf32, #tpu.memory_space<vmem>>[vector<16xi32>, vector<16xi32>, vector<16xi32>], vector<16xf32>,
      %gather3A_1403 = tpu.vector_load_idx %arg8[%broadcast_in_dim3A_1393, %add3A_4, %broadcast_in_dim3A_1386] : memref<8x32x128xf32, #tpu.memory_space<vmem>>[vector<16xi32>, vector<16xi32>, vector<16xi32>], vector<16xf32>,
      %gather3A_1404 = tpu.vector_load_idx %arg9[%broadcast_in_dim3A_1393, %add3A_4, %broadcast_in_dim3A_1391] : memref<8x32x128xf32, #tpu.memory_space<vmem>>[vector<16xi32>, vector<16xi32>, vector<16xi32>], vector<16xf32>,
      %sub3A_1405 = arith.subf %gather3A_1403, %gather3A_1404 : vector<16xf32>
      %mul3A_1406 = arith.mulf %gather3A_1402, %sub3A_1405 : vector<16xf32>
      %add3A_1407 = arith.addf %add3A_1401, %mul3A_1406 : vector<16xf32>
      %reduce_sum3A_1408 = arith.constant true
      %reduce_sum3A_1409 = vector.broadcast %reduce_sum3A_1408 : i1 to vector<16xi1>
      %reduce_sum3A_1410 = tpu.scan <sum>, %add3A_1407 masked %reduce_sum3A_1409 : vector<16xf32>, vector<16xi1> -> vector<16xf32>
      %reduce_sum3A_1411 = vector.extract %reduce_sum3A_1410[15] : f32 from vector<16xf32>
      %jit3A_1412 = arith.constant 2 : i32
      %eq3A_1413 = arith.constant 0 : i32
      %eq3A_1414 = arith.cmpi eq, %jit3A_1412, %eq3A_1413 : i32
      %jit3A_1415 = arith.constant 1 : i32
      %select_n3A_1416 = arith.select %eq3A_1414, %jit3A_1415, %jit3A_1412 : i32
      %rem3A_1417 = arith.remsi %scan3A_13, %select_n3A_1416 : i32
      %ne3A_1418 = arith.constant 0 : i32
      %ne3A_1419 = arith.cmpi ne, %rem3A_1417, %ne3A_1418 : i32
      %lt3A_1420 = arith.constant 0 : i32
      %lt3A_1421 = arith.cmpi slt, %rem3A_1417, %lt3A_1420 : i32
      %lt3A_1422 = arith.constant 0 : i32
      %lt3A_1423 = arith.cmpi slt, %select_n3A_1416, %lt3A_1422 : i32
      %ne3A_1424 = arith.xori %lt3A_1421, %lt3A_1423 : i1
      %and3A_1425 = arith.andi %ne3A_1424, %ne3A_1419 : i1
      %add3A_1426 = arith.addi %rem3A_1417, %select_n3A_1416 : i32
      %select_n3A_1427 = arith.select %and3A_1425, %add3A_1426, %rem3A_1417 : i32
      %mul3A_1428 = arith.constant 8 : i32
      %mul3A_1429 = arith.muli %select_n3A_1427, %mul3A_1428 : i32
      %add3A_1430 = arith.constant 7 : i32
      %add3A_1431 = arith.addi %mul3A_1429, %add3A_1430 : i32
      %eq3A_1432 = vector.broadcast %add3A_1431 : i32 to vector<16xi32>
      %eq3A_1433 = arith.cmpi eq, %iota3A, %eq3A_1432 : vector<16xi32>
      %broadcast_in_dim3A_1434 = vector.broadcast %reduce_sum3A_1411 : f32 to vector<16xf32>
      %select_n3A_1435 = arith.select %eq3A_1433, %broadcast_in_dim3A_1434, %select_n3A_1376 : vector<16xi1>, vector<16xf32>
      %jit3A_1436 = arith.constant 2 : i32
      %eq3A_1437 = arith.constant 0 : i32
      %eq3A_1438 = arith.cmpi eq, %jit3A_1436, %eq3A_1437 : i32
      %jit3A_1439 = arith.constant 1 : i32
      %select_n3A_1440 = arith.select %eq3A_1438, %jit3A_1439, %jit3A_1436 : i32
      %rem3A_1441 = arith.remsi %scan3A_13, %select_n3A_1440 : i32
      %ne3A_1442 = arith.constant 0 : i32
      %ne3A_1443 = arith.cmpi ne, %rem3A_1441, %ne3A_1442 : i32
      %lt3A_1444 = arith.constant 0 : i32
      %lt3A_1445 = arith.cmpi slt, %rem3A_1441, %lt3A_1444 : i32
      %lt3A_1446 = arith.constant 0 : i32
      %lt3A_1447 = arith.cmpi slt, %select_n3A_1440, %lt3A_1446 : i32
      %ne3A_1448 = arith.xori %lt3A_1445, %lt3A_1447 : i1
      %and3A_1449 = arith.andi %ne3A_1448, %ne3A_1443 : i1
      %add3A_1450 = arith.addi %rem3A_1441, %select_n3A_1440 : i32
      %select_n3A_1451 = arith.select %and3A_1449, %add3A_1450, %rem3A_1441 : i32
      %eq3A_1452 = arith.constant 1 : i32
      %eq3A_1453 = arith.cmpi eq, %select_n3A_1451, %eq3A_1452 : i32
      %convert_element_type3A = arith.extui %eq3A_1453 : i1 to i32
      %cond3A = arith.constant 0 : i32
      %cond3A_1454 = arith.cmpi ne, %convert_element_type3A, %cond3A : i32
      scf.if %cond3A_1454 {
        %jit3A_1455 = arith.constant 2 : i32
        %div3A = arith.divsi %scan3A_13, %jit3A_1455 : i32
        %sign3A = arith.constant 0 : i32
        %sign3A_1456 = arith.cmpi sgt, %scan3A_13, %sign3A : i32
        %sign3A_1457 = arith.extui %sign3A_1456 : i1 to i32
        %sign3A_1458 = arith.constant 0 : i32
        %sign3A_1459 = arith.cmpi slt, %scan3A_13, %sign3A_1458 : i32
        %sign3A_1460 = arith.extui %sign3A_1459 : i1 to i32
        %sign3A_1461 = arith.subi %sign3A_1457, %sign3A_1460 : i32
        %sign3A_1462 = arith.constant 0 : i32
        %sign3A_1463 = arith.cmpi sgt, %jit3A_1455, %sign3A_1462 : i32
        %sign3A_1464 = arith.extui %sign3A_1463 : i1 to i32
        %sign3A_1465 = arith.constant 0 : i32
        %sign3A_1466 = arith.cmpi slt, %jit3A_1455, %sign3A_1465 : i32
        %sign3A_1467 = arith.extui %sign3A_1466 : i1 to i32
        %sign3A_1468 = arith.subi %sign3A_1464, %sign3A_1467 : i32
        %ne3A_1469 = arith.cmpi ne, %sign3A_1461, %sign3A_1468 : i32
        %rem3A_1470 = arith.remsi %scan3A_13, %jit3A_1455 : i32
        %ne3A_1471 = arith.constant 0 : i32
        %ne3A_1472 = arith.cmpi ne, %rem3A_1470, %ne3A_1471 : i32
        %and3A_1473 = arith.andi %ne3A_1469, %ne3A_1472 : i1
        %sub3A_1474 = arith.constant 1 : i32
        %sub3A_1475 = arith.subi %div3A, %sub3A_1474 : i32
        %select_n3A_1476 = arith.select %and3A_1473, %sub3A_1475, %div3A : i32
        %mul3A_1477 = arith.constant 16 : i32
        %mul3A_1478 = arith.muli %select_n3A_1476, %mul3A_1477 : i32
        %swap3A = arith.index_cast %mul3A_1478 : i32 to index
        %swap3A_1479 = tpu.vector_load %arg10[%swap3A] {strides = array<i32>} : memref<512xf32, #tpu.memory_space<vmem>>, vector<16xf32>,
        tpu.vector_store %arg10[%swap3A], %select_n3A_1435 {strides = array<i32>} : memref<512xf32, #tpu.memory_space<vmem>>, vector<16xf32>,
      } else {
      }
      scf.yield %select_n3A_1435 : vector<16xf32>
    }
    %scan3A_10 = arith.constant 64 : i32
    %mul3A_11 = arith.constant 512 : i32
    %mul3A_12 = arith.muli %add3A, %mul3A_11 : i32
    "tpu.region"() ({
      %run_scoped3A = tpu.sem_alloc : memref<!tpu.dma_semaphore, #tpu.memory_space<semaphore_mem>>
      %dma_start3A = tpu.memref_slice %arg5[%mul3A_12] : memref<16384xf32, #tpu.memory_space<hbm>> -> memref<512xf32, #tpu.memory_space<hbm>>
      %dma_start3A_13 = tpu.memref_slice %arg5[%mul3A_12] : memref<16384xf32, #tpu.memory_space<hbm>> -> memref<512xf32, #tpu.memory_space<hbm>>
      tpu.enqueue_dma source(%arg10 : memref<512xf32, #tpu.memory_space<vmem>>) target(%dma_start3A_13 : memref<512xf32, #tpu.memory_space<hbm>>) target_semaphore(%run_scoped3A : memref<!tpu.dma_semaphore, #tpu.memory_space<semaphore_mem>>)
      %dma_wait3A = tpu.memref_slice %arg5[%mul3A_12] : memref<16384xf32, #tpu.memory_space<hbm>> -> memref<512xf32, #tpu.memory_space<hbm>>
      %dma_wait3A_14 = tpu.memref_slice %arg5[%mul3A_12] : memref<16384xf32, #tpu.memory_space<hbm>> -> memref<512xf32, #tpu.memory_space<hbm>>
      tpu.wait_dma2 semaphore(%run_scoped3A : memref<!tpu.dma_semaphore, #tpu.memory_space<semaphore_mem>>) src(%arg10 : memref<512xf32, #tpu.memory_space<vmem>>) dst(%dma_wait3A_14 : memref<512xf32, #tpu.memory_space<hbm>>)
      tpu.yield
    }) : () -> ()
    return
  }
}

</mosaic_0001>

<sc_bundles>
// kernel: kernel.3.cloned.1.call-start
scs
__scs_entry_jumppad:
0x0: {  	(pc) =	sbr.rel $0x88, $3  }
0x1: {  	(tag) =	ssettag $0x0;
	lr =	simm.s32 $0x1  }
0x2: {  	[smem:$0x3F9C] =	sst lr;
	_ =	strace $0xD0000000  }
0x3: {  	_ = 	snop  }
0x4: {  	_ = 	snop  }
0x5: {  	_ = 	snop  }
0x6: {  	_ = 	snop  }
0x7: {  	_ = 	snop  }
__scs_overlays_trampoline_lowered:
0x8: {  	[smem:$0x3FAB] =	sst s0  }
0x9: {  	[smem:$0x3FAC] =	sst s1  }
0xa: {  	[smem:$0x3FAD] =	sst s2  }
0xb: {  	[smem:$0x3FAE] =	sst s3  }
0xc: {  	[smem:$0x3FAF] =	sst s4  }
0xd: {  	[smem:$0x3FB0] =	sst s5  }
0xe: {  	[smem:$0x3FB1] =	sst s6  }
0xf: {  	[smem:$0x3FB2] =	sst s7  }
0x10: {  	[smem:$0x3FB3] =	sst s8  }
0x11: {  	[smem:$0x3FB4] =	sst s9;
	s0 =	simm.s32 @!p0 $0x0  }
0x12: {  	s1 =	sld [smem:$0x3F9A];
	s0 =	simm.s32 @p0 $0x1  }
0x13: {  	[smem:$0x3FB5] =	sst s0;
	s0 =	simm.s32 @!p1 $0x0  }
0x14: {  	s2 =	sld [smem:$0x3F99];
	s0 =	simm.s32 @p1 $0x1  }
0x15: {  	[smem:$0x3FB6] =	sst s0;
	s0 =	simm.s32 @!p2 $0x0  }
0x16: {  	s3 =	sld [smem:$0x3FDB];
	s0 =	simm.s32 @p2 $0x1  }
0x17: {  	s4 =	simm.s32 $0x1BF5;
	[smem:$0x3FB8] =	sst s0  }
0x18: {  	s0 =	sld [smem:$0x3F9B];
	_ =	swait.ge [sflag:s4], $0x0  }
0x19: {  	s7 =	sld [smem:$0x3F9C]  }
0x1a: {  	s8 =	sadd.s32 $0xFFFFE003, lr  }
0x1b: {  	s9 =	sadd.s32 $0xFFFFFEF7, lr;
	s5 =	simm.s32 $0xFFFFFFFF;
	p2 =	slt.u32 s8, $0xFFFFF086  }
0x1c: {  	p1 =	slt.u32 s9, $0xF7A;
	s5 =	simm.s32 @!p2 $0x0  }
0x1d: {  	s5 =	simm.s32 @p1 $0x1;
	p0 =	seq.s32 s7, s2  }
0x1e: {  	s7 =	smul.u32 @!p0 $0xF7A, s2;
	p2 =	seq.s32 @!p0 s5, $0x0  }
0x1f: {  	s9 =	smul.u32 $0xF7A, s1;
	s8 =	simm.s32 @!p0 $0x1BF5;
	p2 =	por !p2, p0  }
0x20: {  	[sflag:s8] =	ssyncset.s32 @!p0 $0xFFFFF086;
	s6 =	sadd.s32 @!p0 s3, s7;
	s7 =	simm.s32 @!p0 $0x108  }
0x21: {  	s3 =	sadd.s32 s3, s9;
	s6 =	sadd.s32 @!p0 $0x88, s6;
	s7 =	simm.s32 @p2 $0x1082  }
0x22: {  	[simem:s7], [sflag:s8] =	dma.local @!p0 [hbm:s6], $0xF7A  }
0x23: {  	s9 =	sor.u32 $0xD0000000, s2;
	s6 =	simm.s32 $0x108;
	_ =	swait.ge @!p0 [sflag:s8], $0x0  }
0x24: {  	s3 =	sadd.s32 $0x88, s3;
	s6 =	simm.s32 @!p1 $0x1082;
	[sflag:s4] =	ssyncset.s32 $0xFFFFF086  }
0x25: {  	[simem:s6], [sflag:s4] =	dma.local [hbm:s3], $0xF7A  }
0x26: {  	[smem:$0x3F9C] =	sst s1;
	(tag) =	ssettag s2;
	_ =	strace s9  }
0x27: {  	s1 =	sld [smem:$0x3FAC]  }
0x28: {  	s2 =	sld [smem:$0x3FAD]  }
0x29: {  	s4 =	sld [smem:$0x3FAF]  }
0x2a: {  	p0 =	seq.s32 s5, $0x0;
	s5 =	sld [smem:$0x3FB0]  }
0x2b: {  	s6 =	sld [smem:$0x3FB1]  }
0x2c: {  	s7 =	sld [smem:$0x3FB2]  }
0x2d: {  	s3 =	simm.s32 $0x108;
	s8 =	sld [smem:$0x3FB3]  }
0x2e: {  	s3 =	simm.s32 @!p0 $0x1082;
	s9 =	sld [smem:$0x3FB4]  }
0x2f: {  	lr =	sadd.s32 s0, s3;
	s0 =	sld [smem:$0x3FAB]  }
0x30: {  	s3 =	sld [smem:$0x3FAE]  }
0x31: {  	[smem:$0x3FB7] =	sst s10  }
0x32: {  	s10 =	sld [smem:$0x3FB5];
	_ =	sdelay $0x3  }
0x33: {  	p0 =	seq.s32 s10, $0x1;
	s10 =	sld [smem:$0x3FB7];
	_ =	sdelay $0x3  }
0x34: {  	[smem:$0x3FB7] =	sst s10  }
0x35: {  	s10 =	sld [smem:$0x3FB6];
	_ =	sdelay $0x3  }
0x36: {  	p1 =	seq.s32 s10, $0x1;
	s10 =	sld [smem:$0x3FB7];
	_ =	sdelay $0x3  }
0x37: {  	[smem:$0x3FB7] =	sst s10  }
0x38: {  	s10 =	sld [smem:$0x3FB8]  }
0x39: {  	_ = 	snop;
	(pc) =	sbr.ind lr, $3  }
0x3a: {  	_ = 	snop  }
0x3b: {  	_ = 	snop  }
0x3c: {  	p2 =	seq.s32 s10, $0x1;
	s10 =	sld [smem:$0x3FB7]  }
0x3d: {  	_ =	shalt  }
0x3e: {  	_ =	shalt  }
0x3f: {  	_ =	shalt  }
0x40: {  	_ =	shalt  }
0x41: {  	_ =	shalt  }
0x42: {  	_ =	shalt  }
0x43: {  	_ =	shalt  }
0x44: {  	_ =	shalt  }
0x45: {  	_ =	shalt  }
0x46: {  	_ =	shalt  }
0x47: {  	_ =	shalt  }
0x48: {  	_ =	shalt  }
0x49: {  	_ =	shalt  }
0x4a: {  	_ =	shalt  }
0x4b: {  	_ =	shalt  }
0x4c: {  	_ =	shalt  }
0x4d: {  	_ =	shalt  }
0x4e: {  	_ =	shalt  }
0x4f: {  	_ =	shalt  }
0x50: {  	_ =	shalt  }
0x51: {  	_ =	shalt  }
0x52: {  	_ =	shalt  }
0x53: {  	_ =	shalt  }
0x54: {  	_ =	shalt  }
0x55: {  	_ =	shalt  }
0x56: {  	_ =	shalt  }
0x57: {  	_ =	shalt  }
0x58: {  	_ =	shalt  }
0x59: {  	_ =	shalt  }
0x5a: {  	_ =	shalt  }
0x5b: {  	_ =	shalt  }
0x5c: {  	_ =	shalt  }
0x5d: {  	_ =	shalt  }
0x5e: {  	_ =	shalt  }
0x5f: {  	_ =	shalt  }
0x60: {  	_ =	shalt  }
0x61: {  	_ =	shalt  }
0x62: {  	_ =	shalt  }
0x63: {  	_ =	shalt  }
0x64: {  	_ =	shalt  }
0x65: {  	_ =	shalt  }
0x66: {  	_ =	shalt  }
0x67: {  	_ =	shalt  }
0x68: {  	_ =	shalt  }
0x69: {  	_ =	shalt  }
0x6a: {  	_ =	shalt  }
0x6b: {  	_ =	shalt  }
0x6c: {  	_ =	shalt  }
0x6d: {  	_ =	shalt  }
0x6e: {  	_ =	shalt  }
0x6f: {  	_ =	shalt  }
0x70: {  	_ =	shalt  }
0x71: {  	_ =	shalt  }
0x72: {  	_ =	shalt  }
0x73: {  	_ =	shalt  }
0x74: {  	_ =	shalt  }
0x75: {  	_ =	shalt  }
0x76: {  	_ =	shalt  }
0x77: {  	_ =	shalt  }
0x78: {  	_ =	shalt  }
0x79: {  	_ =	shalt  }
0x7a: {  	_ =	shalt  }
0x7b: {  	_ =	shalt  }
0x7c: {  	_ =	shalt  }
0x7d: {  	_ =	shalt  }
0x7e: {  	_ =	shalt  }
0x7f: {  	_ =	shalt  }
0x80: {  	_ =	shalt  }
0x81: {  	_ =	shalt  }
0x82: {  	_ =	shalt  }
0x83: {  	_ =	shalt  }
0x84: {  	_ =	shalt  }
0x85: {  	_ =	shalt  }
0x86: {  	_ =	shalt  }
0x87: {  	_ =	shalt  }
.Lfunc_end0:
.L_simem_size_0:
called_computation_lowered:
.L_overlay_start_0:
0x88: {  	s2 =	sld [smem:$0x3FD9]  }
0x89: {  	s3 =	sld [smem:$0x3FFE];
	_ =	sdelay $0x1  }
0x8a: {  	s1 =	srdreg.scid  }
0x8b: {  	s0 =	sand.u32 $0x1, s1  }
0x8c: {  	s17 =	sshll.u32 s0, $0xA;
	s2 =	sadd.s32 s3, s2  }
0x8d: {  	s2 =	sadd.s32 s2, s17  }
0x8e: {  	[smem:$0x3FC3] =	sst s2  }
0x8f: {  	_ = 	snop  }
0x90: {  	s2 =	sld [smem:$0x3FC6]  }
0x91: {  	s18 =	sld [smem:$0x3FC5]  }
0x92: {  	s4 =	sld [smem:$0x3FD0];
	(tm) =	ssettm $0x1  }
0x93: {  	s5 =	sld [smem:$0x3FFB];
	_ =	sdelay $0x3  }
0x94: {  	_ =	strace s5  }
0x95: {  	s5 =	sld [smem:$0x3FFC];
	_ =	sdelay $0x3  }
0x96: {  	_ =	strace s5  }
0x97: {  	s5 =	sld [smem:$0x3FFD];
	_ =	sdelay $0x3  }
0x98: {  	_ =	strace s5  }
0x99: {  	_ =	strace $0x8FFFFFFF  }
0x9a: {  	s19 =	sld [smem:$0x3FDB];
	_ =	sdelay $0x1  }
0x9b: {  	s6 =	simm.s32 $_scs_section_size  }
0x9c: {  	s7 =	simm.s32 $_size__tile_overlayer_lowered;
	s8 =	simm.s32 $_tile_overlayer_lowered  }
0x9d: {  	s22 =	simm.s32 $0x1BFF;
	s21 =	sshll.u32 s8, $0x1;
	s5 =	sadd.s32 s6, s19  }
0x9e: {  	s9 =	simm.s32 $0x0;
	s20 =	sshll.u32 s7, $0x1;
	s7 =	sadd.s32 s21, s5  }
0x9f: {  	[timem:s9], [sflag:s22] =	dma.local [hbm:s7], s20  }
0xa0: {  	_ =	swait.ge [sflag:s22], s20  }
0xa1: {  	s6 =	ssub.s32 $0x0, s20;
	[sflag:s22] =	ssyncset.done $0x0  }
0xa2: {  	[sflag:s22] =	ssyncadd.s32 s6;
	_ =	sdelay $0x1  }
0xa3: {  	s23 =	simm.s32 $0x1B8B  }
0xa4: {  	_ =	swait.ge [sflag:s23], $0x1  }
0xa5: {  	[sflag:s23] =	ssyncset.done $0x0  }
0xa6: {  	s25 =	simm.s32 $0x1B8E;
	s24 =	sld [smem:$0x3FFE];
	[sflag:s23] =	ssyncadd.s32 $0xFFFFFFFF  }
0xa7: {  	s26 =	simm.s32 $execute0_lowered;
	[smem:$0x3FD2] =	sst s25  }
0xa8: {  	s7 =	sshll.u32 s26, $0x1;
	_ =	strace $0x80000046;
	[dreg:$0x1] =	wrdreg $0xFFFFFFFF  }
0xa9: {  	s28 =	simm.s32 $_size_execute0_lowered;
	s5 =	sadd.s32 s5, s7;
	[dreg:$0x0] =	wrdreg $0x0  }
0xaa: {  	s7 =	sshll.u32 s28, $0x1;
	[dreg:$0x2] =	wrdreg s5  }
0xab: {  	[dreg:$0x3] =	wrdreg s7  }
0xac: {  	[dreg:$0x4] =	wrdreg $0xC0  }
0xad: {  	_ =	task [dreg:s9], $0x5FFFF  }
0xae: {  	[dreg:$0x1] =	wrdreg $0xFFFFFFFF  }
0xaf: {  	[dreg:$0x0] =	wrdreg $0x60  }
0xb0: {  	[dreg:$0x2] =	wrdreg s24  }
0xb1: {  	[dreg:$0x3] =	wrdreg s2  }
0xb2: {  	[dreg:$0x4] =	wrdreg s18  }
0xb3: {  	[dreg:$0x5] =	wrdreg s4  }
0xb4: {  	[dreg:$0x6] =	wrdreg $0x9  }
0xb5: {  	_ =	task.clear_ibuf [dreg:s9], $0x7FFFF;
	_ =	strace $0x90000046  }
0xb6: {  	s29 =	simm.s32 $0x9;
	_ =	strace $0x80000048  }
0xb7: {  	_ =	swait.ge [sflag:s29], $0x1  }
0xb8: {  	[sflag:s29] =	ssyncadd.s32 $0xFFFFFFFF  }
0xb9: {  	_ =	strace $0x90000048  }
0xba: {  	_ =	sfence  }
0xbb: {  	s30 =	sld [smem:$0x0];
	_ =	sdelay $0x2  }
0xbc: {  	s31 =	sshll.u32 s1, $0xD;
	s1 =	sshrl.u32 s1, $0x2  }
0xbd: {  	s3 =	sand.u32 $0x4000, s31;
	s1 =	sadd.s32 s1, s30  }
0xbe: {  	s0 =	sor.u32 s3, s0;
	s1 =	sshll.u32 s1, $0x11  }
0xbf: {  	s0 =	sor.u32 s1, s0  }
0xc0: {  	s0 =	sadd.s32 $0x8F2B, s0  }
0xc1: {  	[sflag:s0] =	ssyncadd.remote.s32 $0x1  }
0xc2: {  	_ =	sfence.sel $0xFFFF  }
0xc3: {  	[dreg:$0x0] =	wrdreg $0xFFFFFFFF;
	(pc) =	sbr.abs _section_cstart, $3  }
0xc4: {  	[dreg:$0x1] =	wrdreg $0xFFFFFFFF  }
0xc5: {  	_ =	task.clear_ibuf [dreg:s9], $0x2FFFF;
	_ =	strace $0x9FFFFFFF  }
0xc6: {  	(tm) =	ssettm $0x7FFFFFFF  }
0xc7: {  	_ =	shalt  }
tec
execute0_lowered:
.L_overlay_start_1:
0x0: {  	(tag) =	ssettag $0x1  }
0x1: {  	s0 =	rddreg [dreg:$0x0]  }
0x2: {  	s22 =	rddreg [dreg:$0x1]  }
0x3: {  	s26 =	rddreg [dreg:$0x2]  }
0x4: {  	s1 =	rddreg [dreg:$0x3];
	s6 =	simm.s32 $0x0  }
0x5: {  	s2 =	simm.s32 $0x3000;
	[smem:$0x7FF] =	sst s6  }
0x6: {  	s5 =	simm.s32 $0xB000;
	_ =	strace $0x80000047;
	[dreg:$0x5] =	wrdreg s2  }
0x7: {  	s7 =	simm.s32 $0x13000;
	[dreg:$0x6] =	wrdreg s5  }
0x8: {  	s8 =	simm.s32 $0x4000;
	[dreg:$0x7] =	wrdreg s7  }
0x9: {  	s9 =	simm.s32 $0xC000;
	[dreg:$0x8] =	wrdreg s8  }
0xa: {  	s10 =	simm.s32 $0x14000;
	[dreg:$0x9] =	wrdreg s9  }
0xb: {  	s11 =	simm.s32 $0x5000;
	[dreg:$0xa] =	wrdreg s10  }
0xc: {  	s12 =	simm.s32 $0xD000;
	[dreg:$0xb] =	wrdreg s11  }
0xd: {  	s13 =	simm.s32 $0x15000;
	[dreg:$0xc] =	wrdreg s12  }
0xe: {  	s14 =	simm.s32 $0x6000;
	[dreg:$0xd] =	wrdreg s13  }
0xf: {  	s3 =	srdreg.scid;
	s15 =	simm.s32 $0xE000;
	[dreg:$0xe] =	wrdreg s14  }
0x10: {  	s4 =	stileid.u32;
	s17 =	simm.s32 $0x16000;
	[dreg:$0xf] =	wrdreg s15  }
0x11: {  	s18 =	simm.s32 $0x7000;
	s19 =	simm.s32 $0xF000;
	[dreg:$0x10] =	wrdreg s17  }
0x12: {  	s21 =	simm.s32 $0x17000;
	s23 =	simm.s32 $0x8000;
	[dreg:$0x11] =	wrdreg s18  }
0x13: {  	s25 =	simm.s32 $0x10000;
	s28 =	simm.s32 $0x18000;
	[dreg:$0x12] =	wrdreg s19  }
0x14: {  	s29 =	simm.s32 $0x9000;
	s30 =	simm.s32 $0x11000;
	[dreg:$0x13] =	wrdreg s21  }
0x15: {  	s3 =	sand.u32 $0x1, s3;
	s4 =	sshll.u32 s4, $0x1;
	[dreg:$0x14] =	wrdreg s23  }
0x16: {  	s31 =	simm.s32 $0x19000;
	s4 =	sor.u32 s3, s4;
	[dreg:$0x15] =	wrdreg s25  }
0x17: {  	v0 =	vlaneseq.u32;
	s3 =	ssub.s32 $0x2, s3;
	s9 =	simm.s32 $0x400;
	[dreg:$0x16] =	wrdreg s28  }
0x18: {  	v1 =	vmul.u32 $0x80, v0;
	s10 =	simm.s32 $0x7A1400;
	[dreg:$0x17] =	wrdreg s29;
	s11 =	simm.s32 $0x2000  }
0x19: {  	[dreg:$0x18] =	wrdreg s30;
	s12 =	simm.s32 $0xA000;
	s13 =	simm.s32 $0x12000  }
0x1a: {  	[dreg:$0x19] =	wrdreg s31;
	s5 =	sshll.u32 s4, $0xA;
	s20 =	sshll.u32 s4, $0x6;
	v2 =	vor.u32 $0x800, v1;
	v3 =	vor.u32 $0x1000, v1;
	v4 =	vor.u32 $0x1800, v1  }
0x1b: {  	s16 =	sshrl.u32 s3, $0x1;
	v5 =	vor.u32 $0x2000, v1;
	v6 =	vor.u32 $0x2800, v1;
	v7 =	vor.u32 $0x3000, v1;
	s0 =	sadd.s32 s5, s0;
	s1 =	sadd.s32 s1, s20  }
0x1c: {  	v8 =	vor.u32 $0x3800, v1;
	v9 =	vor.u32 $0x4000, v1;
	v10 =	vor.u32 $0x4800, v1;
	s3 =	ssub.s32 s3, s16;
	s0 =	sadd.s32 $0x400, s0;
	[dreg:$0x1b] =	wrdreg s1  }
0x1d: {  	s14 =	simm.s32 $0x1;
	v11 =	vor.u32 $0x5000, v1;
	v12 =	vor.u32 $0x5800, v1;
	v13 =	vor.u32 $0x6000, v1;
	s24 =	smax.u32 s3, $0x1;
	[dreg:$0x1a] =	wrdreg s0  }
0x1e: {  	s2 =	simm.s32 $0x0;
	v14 =	vor.u32 $0x6800, v1;
	v15 =	vor.u32 $0x7000, v1;
	v16 =	vor.u32 $0x7800, v1;
	s1 =	simm.s32 $0x2;
	[dreg:$0x1c] =	wrdreg s24  }
.LBB2_1:
0x1f: {  	[dreg:$0x1d] =	wrdreg s2  }
0x20: {  	s0 =	rddreg [dreg:$0x1a]  }
0x21: {  	[tilespmem:s6], [sflag:$0x2] =	stream.linear.gather [hbm4b:s0+s6], $0x2000, $0x38;
	[tilespmem:$0x1A200] =	vst v63  }
0x22: {  	_ =	swait.ge [sflag:s1], $0x2000  }
0x23: {  	s17 =	simm.s32 $0x8;
	[sflag:s1] =	ssyncset.done $0x0  }
0x24: {  	v17 =	vimm.f32 $0.0e+00;
	s18 =	simm.s32 $0x0;
	s19 =	simm.s32 $0x0;
	[sflag:s1] =	ssyncadd.s32 $0xFFFFE000  }
.LBB2_2:
0x25: {  	v18 =	vld [tilespmem:s17+$0xFFFFFFF8];
	_ =	sdelay $0x1  }
0x26: {  	v19 =	vld [tilespmem:s17+$0x0];
	_ =	sdelay $0x2  }
0x27: {  	(v2sf) =	vpush v18, $0x0;
	_ =	sdelay $0x1  }
0x28: {  	(v2sf) =	vpush v19, $0x0;
	_ =	sdelay $0x2  }
0x29: {  	(v2sf) =	vpush v19, $0x8;
	_ =	sdelay $0x3  }
0x2a: {  	(v2sf) =	vpush v18, $0x1;
	_ =	sdelay $0x3  }
0x2b: {  	(v2sf) =	vpush v19, $0x1;
	_ =	sdelay $0x1  }
0x2c: {  	s25 =	spop (v2sf);
	(v2sf) =	vpush v19, $0x9;
	_ =	sdelay $0x1  }
0x2d: {  	s1 =	spop (v2sf);
	(v2sf) =	vpush v18, $0x2;
	_ =	sdelay $0x2  }
0x2e: {  	s31 =	spop (v2sf);
	(v2sf) =	vpush v19, $0x2;
	_ =	sdelay $0x3  }
0x2f: {  	s2 =	spop (v2sf);
	(v2sf) =	vpush v19, $0xA  }
0x30: {  	s0 =	sand.u32 $0xFFFFF80, s25  }
0x31: {  	[dreg:$0x1f] =	wrdreg s1;
	s0 =	sadd.s32 s22, s0;
	s30 =	sand.u32 $0xFFFFF80, s1  }
0x32: {  	[tilespmem:s11], [sflag:$0x1] =	stream.strided.gather [hbm4b:s0+s9], $0x1000, s10, s9, $0x38;
	[tilespmem:$0x1A200] =	vst v63  }
0x33: {  	s0 =	sadd.s32 s26, s30;
	s1 =	sand.u32 $0xFFFFF80, s31;
	s4 =	spop (v2sf)  }
0x34: {  	[tilespmem:s12], [sflag:$0x1] =	stream.strided.gather [hbm4b:s0+s9], $0x1000, s10, s9, $0x38;
	[tilespmem:$0x1A200] =	vst v63  }
0x35: {  	s0 =	sadd.s32 s26, s1;
	s28 =	spop (v2sf);
	(v2sf) =	vpush v18, $0x3  }
0x36: {  	[tilespmem:s13], [sflag:$0x1] =	stream.strided.gather [hbm4b:s0+s9], $0x1000, s10, s9, $0x38;
	[tilespmem:$0x1A200] =	vst v63  }
0x37: {  	s1 =	sand.u32 $0xFFFFF80, s2;
	s8 =	spop (v2sf);
	(v2sf) =	vpush v19, $0x3  }
0x38: {  	s3 =	rddreg [dreg:$0x5];
	s1 =	sadd.s32 s22, s1  }
0x39: {  	[tilespmem:s3], [sflag:$0x1] =	stream.strided.gather [hbm4b:s1+s9], $0x1000, s10, s9, $0x38;
	[tilespmem:$0x1A200] =	vst v63  }
0x3a: {  	s29 =	spop (v2sf);
	(v2sf) =	vpush v19, $0xB  }
0x3b: {  	s1 =	sand.u32 $0xFFFFF80, s4  }
0x3c: {  	s5 =	rddreg [dreg:$0x6];
	s1 =	sadd.s32 s26, s1  }
0x3d: {  	[tilespmem:s5], [sflag:$0x1] =	stream.strided.gather [hbm4b:s1+s9], $0x1000, s10, s9, $0x38;
	[tilespmem:$0x1A200] =	vst v63  }
0x3e: {  	[smem:$0x7FA] =	sst s31;
	s7 =	sand.u32 $0xFFFFF80, s28;
	s31 =	spop (v2sf);
	(v2sf) =	vpush v18, $0x4  }
0x3f: {  	s6 =	rddreg [dreg:$0x7];
	s1 =	sadd.s32 s26, s7  }
0x40: {  	[tilespmem:s6], [sflag:$0x1] =	stream.strided.gather [hbm4b:s1+s9], $0x1000, s10, s9, $0x38;
	[tilespmem:$0x1A200] =	vst v63  }
0x41: {  	s1 =	sand.u32 $0xFFFFF80, s8  }
0x42: {  	s15 =	rddreg [dreg:$0x8];
	s20 =	sand.u32 $0xFFFFF80, s29;
	s1 =	sadd.s32 s22, s1  }
0x43: {  	[tilespmem:s15], [sflag:$0x1] =	stream.strided.gather [hbm4b:s1+s9], $0x1000, s10, s9, $0x38;
	[tilespmem:$0x1A200] =	vst v63  }
0x44: {  	s16 =	rddreg [dreg:$0x9];
	s1 =	sadd.s32 s26, s20;
	s24 =	spop (v2sf);
	(v2sf) =	vpush v19, $0x4  }
0x45: {  	[tilespmem:s16], [sflag:$0x1] =	stream.strided.gather [hbm4b:s1+s9], $0x1000, s10, s9, $0x38;
	[tilespmem:$0x1A200] =	vst v63  }
0x46: {  	s21 =	rddreg [dreg:$0xa];
	s23 =	sand.u32 $0xFFFFF80, s31;
	s20 =	spop (v2sf);
	(v2sf) =	vpush v19, $0xC  }
0x47: {  	s30 =	rddreg [dreg:$0xb];
	s1 =	sadd.s32 s26, s23  }
0x48: {  	[tilespmem:s21], [sflag:$0x1] =	stream.strided.gather [hbm4b:s1+s9], $0x1000, s10, s9, $0x38;
	[tilespmem:$0x1A200] =	vst v63  }
0x49: {  	[dreg:$0x1e] =	wrdreg s2;
	s15 =	spop (v2sf);
	(v2sf) =	vpush v18, $0x5  }
0x4a: {  	[smem:$0x7FB] =	sst s4;
	s1 =	sand.u32 $0xFFFFF80, s24  }
0x4b: {  	s2 =	rddreg [dreg:$0xc];
	s1 =	sadd.s32 s22, s1;
	s3 =	sand.u32 $0xFFFFF80, s20  }
0x4c: {  	[tilespmem:s30], [sflag:$0x1] =	stream.strided.gather [hbm4b:s1+s9], $0x1000, s10, s9, $0x38;
	[tilespmem:$0x1A200] =	vst v63  }
0x4d: {  	s1 =	sadd.s32 s26, s3;
	s5 =	sand.u32 $0xFFFFF80, s15;
	s30 =	spop (v2sf)  }
0x4e: {  	[tilespmem:s2], [sflag:$0x1] =	stream.strided.gather [hbm4b:s1+s9], $0x1000, s10, s9, $0x38;
	[tilespmem:$0x1A200] =	vst v63  }
0x4f: {  	s4 =	rddreg [dreg:$0xd];
	(v2sf) =	vpush v19, $0x5;
	s7 =	sand.u32 $0xFFFFF80, s30;
	s1 =	sadd.s32 s26, s5  }
0x50: {  	[tilespmem:s4], [sflag:$0x1] =	stream.strided.gather [hbm4b:s1+s9], $0x1000, s10, s9, $0x38;
	[tilespmem:$0x1A200] =	vst v63  }
0x51: {  	s6 =	rddreg [dreg:$0xe];
	s1 =	sadd.s32 s22, s7  }
0x52: {  	[tilespmem:s6], [sflag:$0x1] =	stream.strided.gather [hbm4b:s1+s9], $0x1000, s10, s9, $0x38;
	[tilespmem:$0x1A200] =	vst v63  }
0x53: {  	s3 =	spop (v2sf);
	(v2sf) =	vpush v19, $0xD  }
0x54: {  	s16 =	sand.u32 $0xFFFFF80, s3  }
0x55: {  	[smem:$0x7FC] =	sst s8;
	s1 =	sadd.s32 s26, s16;
	s16 =	spop (v2sf);
	(v2sf) =	vpush v18, $0x6  }
0x56: {  	s8 =	rddreg [dreg:$0xf]  }
0x57: {  	[tilespmem:s8], [sflag:$0x1] =	stream.strided.gather [hbm4b:s1+s9], $0x1000, s10, s9, $0x38;
	[tilespmem:$0x1A200] =	vst v63  }
0x58: {  	s4 =	spop (v2sf);
	(v2sf) =	vpush v19, $0x6  }
0x59: {  	s21 =	rddreg [dreg:$0x10];
	s23 =	sand.u32 $0xFFFFF80, s16  }
0x5a: {  	[smem:$0x7FD] =	sst s24;
	s1 =	sadd.s32 s26, s23;
	s2 =	sand.u32 $0xFFFFF80, s4  }
0x5b: {  	[tilespmem:s21], [sflag:$0x1] =	stream.strided.gather [hbm4b:s1+s9], $0x1000, s10, s9, $0x38;
	[tilespmem:$0x1A200] =	vst v63  }
0x5c: {  	s24 =	rddreg [dreg:$0x11];
	s1 =	sadd.s32 s22, s2  }
0x5d: {  	[tilespmem:s24], [sflag:$0x1] =	stream.strided.gather [hbm4b:s1+s9], $0x1000, s10, s9, $0x38;
	[tilespmem:$0x1A200] =	vst v63  }
0x5e: {  	s1 =	spop (v2sf);
	(v2sf) =	vpush v19, $0xE;
	_ =	sdelay $0x2  }
0x5f: {  	s2 =	sand.u32 $0xFFFFF80, s1  }
0x60: {  	s5 =	rddreg [dreg:$0x12];
	s2 =	sadd.s32 s26, s2;
	s0 =	spop (v2sf);
	(v2sf) =	vpush v18, $0x7  }
0x61: {  	[tilespmem:s5], [sflag:$0x1] =	stream.strided.gather [hbm4b:s2+s9], $0x1000, s10, s9, $0x38;
	[tilespmem:$0x1A200] =	vst v63  }
0x62: {  	s5 =	sand.u32 $0xFFFFF80, s0;
	s8 =	spop (v2sf);
	(v2sf) =	vpush v19, $0x7  }
0x63: {  	s6 =	rddreg [dreg:$0x13];
	s5 =	sadd.s32 s26, s5  }
0x64: {  	[tilespmem:s6], [sflag:$0x1] =	stream.strided.gather [hbm4b:s5+s9], $0x1000, s10, s9, $0x38;
	[tilespmem:$0x1A200] =	vst v63  }
0x65: {  	s2 =	spop (v2sf);
	(v2sf) =	vpush v19, $0xF  }
0x66: {  	s21 =	sand.u32 $0xFFFFF80, s8  }
0x67: {  	s7 =	rddreg [dreg:$0x14];
	s5 =	sadd.s32 s22, s21;
	s6 =	sand.u32 $0xFFFFF80, s2  }
0x68: {  	[tilespmem:s7], [sflag:$0x1] =	stream.strided.gather [hbm4b:s5+s9], $0x1000, s10, s9, $0x38;
	[tilespmem:$0x1A200] =	vst v63  }
0x69: {  	s23 =	rddreg [dreg:$0x15];
	s6 =	sadd.s32 s26, s6  }
0x6a: {  	[tilespmem:s23], [sflag:$0x1] =	stream.strided.gather [hbm4b:s6+s9], $0x1000, s10, s9, $0x38;
	[tilespmem:$0x1A200] =	vst v63  }
0x6b: {  	s21 =	spop (v2sf)  }
0x6c: {  	s7 =	sand.u32 $0xFFFFF80, s21  }
0x6d: {  	s24 =	rddreg [dreg:$0x16];
	s6 =	sadd.s32 s26, s7  }
0x6e: {  	[tilespmem:s24], [sflag:$0x1] =	stream.strided.gather [hbm4b:s6+s9], $0x1000, s10, s9, $0x38;
	[tilespmem:$0x1A200] =	vst v63  }
0x6f: {  	s5 =	spop (v2sf)  }
0x70: {  	s7 =	sand.u32 $0xFFFFF80, s5  }
0x71: {  	s23 =	rddreg [dreg:$0x17];
	s7 =	sadd.s32 s22, s7;
	s6 =	spop (v2sf)  }
0x72: {  	[tilespmem:s23], [sflag:$0x1] =	stream.strided.gather [hbm4b:s7+s9], $0x1000, s10, s9, $0x38;
	[tilespmem:$0x1A200] =	vst v63  }
0x73: {  	s23 =	sand.u32 $0xFFFFF80, s6  }
0x74: {  	s24 =	rddreg [dreg:$0x18];
	s7 =	spop (v2sf);
	s23 =	sadd.s32 s26, s23  }
0x75: {  	[tilespmem:s24], [sflag:$0x1] =	stream.strided.gather [hbm4b:s23+s9], $0x1000, s10, s9, $0x38;
	[tilespmem:$0x1A200] =	vst v63  }
0x76: {  	s24 =	sand.u32 $0xFFFFF80, s7  }
0x77: {  	s23 =	rddreg [dreg:$0x19];
	s24 =	sadd.s32 s26, s24  }
0x78: {  	[tilespmem:s23], [sflag:$0x1] =	stream.strided.gather [hbm4b:s24+s9], $0x1000, s10, s9, $0x38;
	[tilespmem:$0x1A200] =	vst v63  }
0x79: {  	_ =	swait.ge [sflag:s14], $0x1000  }
0x7a: {  	[sflag:s14] =	ssyncset.done $0x0  }
0x7b: {  	[sflag:s14] =	ssyncadd.s32 $0xFFFFF000  }
0x7c: {  	_ =	swait.ge [sflag:s14], $0x1000  }
0x7d: {  	[sflag:s14] =	ssyncset.done $0x0  }
0x7e: {  	[sflag:s14] =	ssyncadd.s32 $0xFFFFF000  }
0x7f: {  	_ =	swait.ge [sflag:s14], $0x1000  }
0x80: {  	[sflag:s14] =	ssyncset.done $0x0  }
0x81: {  	[sflag:s14] =	ssyncadd.s32 $0xFFFFF000  }
0x82: {  	_ =	swait.ge [sflag:s14], $0x1000  }
0x83: {  	[sflag:s14] =	ssyncset.done $0x0  }
0x84: {  	[sflag:s14] =	ssyncadd.s32 $0xFFFFF000  }
0x85: {  	_ =	swait.ge [sflag:s14], $0x1000  }
0x86: {  	[sflag:s14] =	ssyncset.done $0x0  }
0x87: {  	[sflag:s14] =	ssyncadd.s32 $0xFFFFF000  }
0x88: {  	_ =	swait.ge [sflag:s14], $0x1000  }
0x89: {  	[sflag:s14] =	ssyncset.done $0x0  }
0x8a: {  	[sflag:s14] =	ssyncadd.s32 $0xFFFFF000  }
0x8b: {  	_ =	swait.ge [sflag:s14], $0x1000  }
0x8c: {  	[sflag:s14] =	ssyncset.done $0x0  }
0x8d: {  	[sflag:s14] =	ssyncadd.s32 $0xFFFFF000  }
0x8e: {  	_ =	swait.ge [sflag:s14], $0x1000  }
0x8f: {  	[sflag:s14] =	ssyncset.done $0x0  }
0x90: {  	[sflag:s14] =	ssyncadd.s32 $0xFFFFF000  }
0x91: {  	_ =	swait.ge [sflag:s14], $0x1000  }
0x92: {  	[sflag:s14] =	ssyncset.done $0x0  }
0x93: {  	[sflag:s14] =	ssyncadd.s32 $0xFFFFF000  }
0x94: {  	_ =	swait.ge [sflag:s14], $0x1000  }
0x95: {  	[sflag:s14] =	ssyncset.done $0x0  }
0x96: {  	[sflag:s14] =	ssyncadd.s32 $0xFFFFF000  }
0x97: {  	_ =	swait.ge [sflag:s14], $0x1000  }
0x98: {  	[sflag:s14] =	ssyncset.done $0x0  }
0x99: {  	[sflag:s14] =	ssyncadd.s32 $0xFFFFF000  }
0x9a: {  	_ =	swait.ge [sflag:s14], $0x1000  }
0x9b: {  	[sflag:s14] =	ssyncset.done $0x0  }
0x9c: {  	[sflag:s14] =	ssyncadd.s32 $0xFFFFF000  }
0x9d: {  	_ =	swait.ge [sflag:s14], $0x1000  }
0x9e: {  	[sflag:s14] =	ssyncset.done $0x0  }
0x9f: {  	[sflag:s14] =	ssyncadd.s32 $0xFFFFF000  }
0xa0: {  	_ =	swait.ge [sflag:s14], $0x1000  }
0xa1: {  	[sflag:s14] =	ssyncset.done $0x0  }
0xa2: {  	[sflag:s14] =	ssyncadd.s32 $0xFFFFF000  }
0xa3: {  	_ =	swait.ge [sflag:s14], $0x1000  }
0xa4: {  	[sflag:s14] =	ssyncset.done $0x0  }
0xa5: {  	[sflag:s14] =	ssyncadd.s32 $0xFFFFF000  }
0xa6: {  	_ =	swait.ge [sflag:s14], $0x1000  }
0xa7: {  	[sflag:s14] =	ssyncset.done $0x0  }
0xa8: {  	[sflag:s14] =	ssyncadd.s32 $0xFFFFF000  }
0xa9: {  	_ =	swait.ge [sflag:s14], $0x1000  }
0xaa: {  	[sflag:s14] =	ssyncset.done $0x0  }
0xab: {  	[sflag:s14] =	ssyncadd.s32 $0xFFFFF000  }
0xac: {  	_ =	swait.ge [sflag:s14], $0x1000  }
0xad: {  	[sflag:s14] =	ssyncset.done $0x0  }
0xae: {  	[sflag:s14] =	ssyncadd.s32 $0xFFFFF000  }
0xaf: {  	_ =	swait.ge [sflag:s14], $0x1000  }
0xb0: {  	[sflag:s14] =	ssyncset.done $0x0  }
0xb1: {  	[sflag:s14] =	ssyncadd.s32 $0xFFFFF000  }
0xb2: {  	_ =	swait.ge [sflag:s14], $0x1000  }
0xb3: {  	[sflag:s14] =	ssyncset.done $0x0  }
0xb4: {  	[sflag:s14] =	ssyncadd.s32 $0xFFFFF000  }
0xb5: {  	_ =	swait.ge [sflag:s14], $0x1000  }
0xb6: {  	[sflag:s14] =	ssyncset.done $0x0  }
0xb7: {  	[sflag:s14] =	ssyncadd.s32 $0xFFFFF000  }
0xb8: {  	_ =	swait.ge [sflag:s14], $0x1000  }
0xb9: {  	[sflag:s14] =	ssyncset.done $0x0  }
0xba: {  	[sflag:s14] =	ssyncadd.s32 $0xFFFFF000  }
0xbb: {  	s23 =	sand.u32 $0x7F, s25;
	_ =	swait.ge [sflag:s14], $0x1000  }
0xbc: {  	v18 =	vor.u32 s23, v1;
	[sflag:s14] =	ssyncset.done $0x0;
	s25 =	rddreg [dreg:$0x1f]  }
0xbd: {  	s28 =	sand.u32 $0x7F, s28;
	v21 =	vor.u32 s23, v2;
	s24 =	sand.u32 $0x7F, s25;
	[sflag:s14] =	ssyncadd.s32 $0xFFFFF000  }
0xbe: {  	v26 =	vor.u32 s28, v3;
	s25 =	smov.u32 s22;
	s22 =	sld [smem:$0x7FA];
	_ =	swait.ge [sflag:s14], $0x1000  }
0xbf: {  	v29 =	vor.u32 s28, v4;
	s29 =	sand.u32 $0x7F, s29;
	[sflag:s14] =	ssyncset.done $0x0  }
0xc0: {  	s31 =	sand.u32 $0x7F, s31;
	v31 =	vor.u32 s29, v5;
	[sflag:s14] =	ssyncadd.s32 $0xFFFFF000  }
0xc1: {  	v32 =	vor.u32 s31, v5;
	v18 =	vld.idx.msk [tilespmem:v18+s11+$0x0], $0xffff  }
0xc2: {  	v34 =	vor.u32 s29, v6;
	v21 =	vld.idx.msk [tilespmem:v21+s11+$0x0], $0xffff  }
0xc3: {  	v35 =	vor.u32 s31, v6;
	s20 =	sand.u32 $0x7F, s20;
	v26 =	vld.idx.msk [tilespmem:v26+s13+$0x0], $0xffff  }
0xc4: {  	s15 =	sand.u32 $0x7F, s15;
	v37 =	vor.u32 s20, v7;
	v29 =	vld.idx.msk [tilespmem:v29+s13+$0x0], $0xffff  }
0xc5: {  	v38 =	vor.u32 s15, v7;
	v31 =	vld.idx.msk [tilespmem:v31+s12+$0x0], $0xffff  }
0xc6: {  	v40 =	vor.u32 s20, v8;
	v32 =	vld.idx.msk [tilespmem:v32+s13+$0x0], $0xffff  }
0xc7: {  	v41 =	vor.u32 s15, v8;
	s29 =	sand.u32 $0x7F, s30;
	v34 =	vld.idx.msk [tilespmem:v34+s12+$0x0], $0xffff  }
0xc8: {  	v42 =	vor.u32 s29, v9;
	s3 =	sand.u32 $0x7F, s3;
	v35 =	vld.idx.msk [tilespmem:v35+s13+$0x0], $0xffff  }
0xc9: {  	v43 =	vor.u32 s3, v9;
	s16 =	sand.u32 $0x7F, s16;
	v37 =	vld.idx.msk [tilespmem:v37+s12+$0x0], $0xffff  }
0xca: {  	v44 =	vor.u32 s16, v9;
	v38 =	vld.idx.msk [tilespmem:v38+s13+$0x0], $0xffff  }
0xcb: {  	v45 =	vor.u32 s29, v10;
	v40 =	vld.idx.msk [tilespmem:v40+s12+$0x0], $0xffff  }
0xcc: {  	v46 =	vor.u32 s3, v10;
	v41 =	vld.idx.msk [tilespmem:v41+s13+$0x0], $0xffff  }
0xcd: {  	v47 =	vor.u32 s16, v10;
	s30 =	sand.u32 $0x7F, s4;
	v42 =	vld.idx.msk [tilespmem:v42+s11+$0x0], $0xffff  }
0xce: {  	v48 =	vor.u32 s30, v11;
	s1 =	sand.u32 $0x7F, s1;
	v43 =	vld.idx.msk [tilespmem:v43+s12+$0x0], $0xffff  }
0xcf: {  	v49 =	vor.u32 s1, v11;
	s0 =	sand.u32 $0x7F, s0;
	v44 =	vld.idx.msk [tilespmem:v44+s13+$0x0], $0xffff  }
0xd0: {  	v50 =	vor.u32 s0, v11;
	v45 =	vld.idx.msk [tilespmem:v45+s11+$0x0], $0xffff  }
0xd1: {  	v19 =	vor.u32 s24, v1;
	v46 =	vld.idx.msk [tilespmem:v46+s12+$0x0], $0xffff  }
0xd2: {  	v22 =	vor.u32 s24, v2;
	s22 =	sand.u32 $0x7F, s22;
	v47 =	vld.idx.msk [tilespmem:v47+s13+$0x0], $0xffff  }
0xd3: {  	v20 =	vor.u32 s22, v1;
	v48 =	vld.idx.msk [tilespmem:v48+s11+$0x0], $0xffff  }
0xd4: {  	s4 =	sand.u32 $0x7F, s2;
	s23 =	rddreg [dreg:$0x1e];
	v23 =	vor.u32 s22, v2;
	v49 =	vld.idx.msk [tilespmem:v49+s12+$0x0], $0xffff  }
0xd5: {  	v55 =	vor.u32 s4, v13;
	s16 =	sand.u32 $0x7F, s6;
	s24 =	sld [smem:$0x7FB];
	v50 =	vld.idx.msk [tilespmem:v50+s13+$0x0], $0xffff  }
0xd6: {  	v61 =	vor.u32 s16, v15;
	s28 =	sld [smem:$0x7FC];
	s22 =	sand.u32 $0x7F, s23;
	v19 =	vld.idx.msk [tilespmem:v19+s12+$0x0], $0xffff  }
0xd7: {  	v24 =	vor.u32 s22, v3;
	v22 =	vld.idx.msk [tilespmem:v22+s12+$0x0], $0xffff  }
0xd8: {  	s23 =	sand.u32 $0x7F, s24;
	v27 =	vor.u32 s22, v4;
	v20 =	vld.idx.msk [tilespmem:v20+s13+$0x0], $0xffff  }
0xd9: {  	s22 =	sand.u32 $0x7F, s28;
	s28 =	sld [smem:$0x7FD];
	v25 =	vor.u32 s23, v3;
	v23 =	vld.idx.msk [tilespmem:v23+s13+$0x0], $0xffff  }
0xda: {  	v28 =	vor.u32 s23, v4;
	v58 =	vsub.f32 v31, v32;
	v31 =	vld.idx.msk [tilespmem:v55+s12+$0x0], $0xffff  }
0xdb: {  	v30 =	vor.u32 s22, v5;
	v32 =	vld.idx.msk [tilespmem:v61+s12+$0x0], $0xffff  }
0xdc: {  	v33 =	vor.u32 s22, v6;
	s22 =	sand.u32 $0x7F, s28;
	v24 =	vld.idx.msk [tilespmem:v24+s11+$0x0], $0xffff  }
0xdd: {  	v36 =	vor.u32 s22, v7;
	v27 =	vld.idx.msk [tilespmem:v27+s11+$0x0], $0xffff  }
0xde: {  	v51 =	vor.u32 s30, v12;
	s31 =	sand.u32 $0x7F, s8;
	s8 =	sand.u32 $0x7F, s21;
	v25 =	vld.idx.msk [tilespmem:v25+s12+$0x0], $0xffff  }
0xdf: {  	v63 =	vor.u32 s8, v13;
	v28 =	vld.idx.msk [tilespmem:v28+s12+$0x0], $0xffff  }
0xe0: {  	v52 =	vor.u32 s1, v12;
	v30 =	vld.idx.msk [tilespmem:v30+s11+$0x0], $0xffff  }
0xe1: {  	v53 =	vor.u32 s0, v12;
	v33 =	vld.idx.msk [tilespmem:v33+s11+$0x0], $0xffff  }
0xe2: {  	v54 =	vor.u32 s31, v13;
	v36 =	vld.idx.msk [tilespmem:v36+s11+$0x0], $0xffff  }
0xe3: {  	v56 =	vor.u32 s8, v14;
	v62 =	vsub.f32 v22, v23;
	v22 =	vld.idx.msk [tilespmem:v51+s11+$0x0], $0xffff  }
0xe4: {  	s15 =	sand.u32 $0x7F, s5;
	v19 =	vsub.f32 v19, v20;
	v51 =	vor.u32 s4, v14;
	v23 =	vld.idx.msk [tilespmem:v63+s13+$0x0], $0xffff  }
0xe5: {  	v59 =	vor.u32 s15, v15;
	v39 =	vor.u32 s22, v8;
	v25 =	vsub.f32 v25, v26;
	v26 =	vld.idx.msk [tilespmem:v52+s12+$0x0], $0xffff  }
0xe6: {  	s20 =	sand.u32 $0x7F, s7;
	v60 =	vsub.f32 v37, v38;
	v18 =	vmul.f32 v19, v18;
	v19 =	vmul.f32 v62, v21;
	v21 =	vld.idx.msk [tilespmem:v53+s13+$0x0], $0xffff  }
0xe7: {  	v55 =	vor.u32 s31, v14;
	v63 =	vor.u32 s20, v15;
	v57 =	vsub.f32 v28, v29;
	v28 =	vld.idx.msk [tilespmem:v54+s11+$0x0], $0xffff  }
0xe8: {  	v61 =	vsub.f32 v43, v44;
	v62 =	vsub.f32 v34, v35;
	v53 =	vld.idx.msk [tilespmem:v56+s13+$0x0], $0xffff;
	v54 =	vor.u32 s20, v16  }
0xe9: {  	v52 =	vsub.f32 v40, v41;
	v56 =	vor.u32 s15, v16;
	v35 =	vld.idx.msk [tilespmem:v51+s12+$0x0], $0xffff;
	v51 =	vor.u32 s16, v16  }
0xea: {  	v39 =	vld.idx.msk [tilespmem:v39+s11+$0x0], $0xffff;
	v40 =	vsub.f32 v49, v50;
	v24 =	vmul.f32 v25, v24;
	v20 =	vmul.f32 v57, v27  }
0xeb: {  	v29 =	vld.idx.msk [tilespmem:v59+s11+$0x0], $0xffff;
	v25 =	vmul.f32 v58, v30;
	v18 =	vadd.f32 $0.0e+00, v18;
	v30 =	vmul.f32 v62, v33  }
0xec: {  	v62 =	vsub.f32 v46, v47;
	v44 =	vmul.f32 v40, v48;
	v57 =	vld.idx.msk [tilespmem:v63+s13+$0x0], $0xffff;
	v23 =	vsub.f32 v31, v23  }
0xed: {  	v27 =	vmul.f32 v60, v36;
	v24 =	vadd.f32 $0.0e+00, v24;
	v25 =	vadd.f32 $0.0e+00, v25;
	v63 =	vld.idx.msk [tilespmem:v54+s13+$0x0], $0xffff  }
0xee: {  	v18 =	vadd.f32 v19, v18;
	v48 =	vadd.f32 $0.0e+00, v44;
	v60 =	vld.idx.msk [tilespmem:v51+s12+$0x0], $0xffff  }
0xef: {  	v41 =	vld.idx.msk [tilespmem:v55+s11+$0x0], $0xffff;
	v37 =	vmul.f32 v52, v39;
	v27 =	vadd.f32 $0.0e+00, v27;
	v21 =	vsub.f32 v26, v21  }
0xf0: {  	v43 =	vld.idx.msk [tilespmem:v56+s11+$0x0], $0xffff;
	v19 =	vadd.f32 v20, v24;
	v58 =	vadd.f32 v30, v25;
	v30 =	vmul.f32 v61, v42  }
0xf1: {  	v42 =	vmul.f32 v62, v45;
	v59 =	vadd.f32 v37, v27;
	v20 =	vsub.f32 v32, v57  }
0xf2: {  	(xrf2) =	vadd.scan.msk.f32 $0xffff, v18;
	v18 =	vmul.f32 v23, v28;
	v45 =	vsub.f32 v35, v53;
	v46 =	vadd.f32 $0.0e+00, v30  }
0xf3: {  	v21 =	vmul.f32 v21, v22;
	(xrf2) =	vadd.scan.msk.f32 $0xffff, v19;
	v19 =	vmul.f32 v20, v29;
	v47 =	vsub.f32 v60, v63  }
0xf4: {  	v18 =	vadd.f32 $0.0e+00, v18;
	(xrf2) =	vadd.scan.msk.f32 $0xffff, v58;
	v23 =	vadd.f32 v42, v46;
	v22 =	vmul.f32 v45, v41  }
0xf5: {  	v21 =	vadd.f32 v21, v48;
	(xrf2) =	vadd.scan.msk.f32 $0xffff, v59;
	v19 =	vadd.f32 $0.0e+00, v19;
	v20 =	vmul.f32 v47, v43  }
0xf6: {  	(xrf2) =	vadd.scan.msk.f32 $0xffff, v23;
	v18 =	vadd.f32 v22, v18  }
0xf7: {  	(xrf2) =	vadd.scan.msk.f32 $0xffff, v21;
	v19 =	vadd.f32 v20, v19  }
0xf8: {  	s21 =	sand.u32 $0x1, s19;
	(xrf2) =	vadd.scan.msk.f32 $0xffff, v18  }
0xf9: {  	s23 =	sshll.u32 s21, $0x3;
	(xrf2) =	vadd.scan.msk.f32 $0xffff, v19  }
0xfa: {  	s1 =	sor.u32 $0x6, s23;
	s28 =	sor.u32 $0x3, s23  }
0xfb: {  	s29 =	sor.u32 $0x4, s23;
	v49 =	vmov s28;
	v55 =	vmov s1  }
0xfc: {  	s24 =	sor.u32 $0x1, s23;
	vm11 =	veq.s32 v49, v0;
	vm14 =	veq.s32 v55, v0;
	v52 =	vmov s29;
	v50, _, _ =	vpop (xrf2)  }
0xfd: {  	v51 =	vmov s23;
	v18 =	vmov s24;
	v21 =	vbroadcast v50, $0xF;
	v54, _, _ =	vpop (xrf2)  }
0xfe: {  	s22 =	smov.u32 s25;
	s25 =	sor.u32 $0x2, s23;
	vm0 =	veq.s32 v51, v0;
	vm9 =	veq.s32 v18, v0;
	v57, _, _ =	vpop (xrf2);
	v58 =	vbroadcast v54, $0xF  }
0xff: {  	v19 =	vmov s25;
	v17 =	vsel vm0, v21, v17;
	v59, _, _ =	vpop (xrf2);
	v18 =	vbroadcast v57, $0xF  }
0x100: {  	vm10 =	veq.s32 v19, v0;
	v17 =	vsel vm9, v58, v17;
	v19 =	vbroadcast v59, $0xF;
	v60, _, _ =	vpop (xrf2)  }
0x101: {  	s19 =	sadd.s32 $0x1, s19;
	s30 =	sor.u32 $0x5, s23;
	vm12 =	veq.s32 v52, v0;
	v17 =	vsel vm10, v18, v17;
	v61, _, _ =	vpop (xrf2);
	v18 =	vbroadcast v60, $0xF  }
0x102: {  	p1 =	sne.s32 s19, $0x40;
	v53 =	vmov s30;
	v17 =	vsel vm11, v19, v17;
	v62, _, _ =	vpop (xrf2);
	v19 =	vbroadcast v61, $0xF  }
.Ltmp0:
0x103: {  	s31 =	sshllo.u32 s21, $0x3;
	vm13 =	veq.s32 v53, v0;
	v17 =	vsel vm12, v18, v17;
	v18 =	vbroadcast v62, $0xF;
	v63, _, _ =	vpop (xrf2);
	(pc) =	sbr.rel @p1 .LBB2_2-.Ltmp0, $4  }
0x104: {  	p0 =	seq.s32 s21, $0x0;
	v56 =	vmov s31;
	v17 =	vsel vm13, v19, v17;
	v19 =	vbroadcast v63, $0xF  }
0x105: {  	s0 =	sand.u32 @!p0 $0x7C0, s18;
	vm15 =	veq.s32 v56, v0;
	v17 =	vsel vm14, v18, v17  }
0x106: {  	s0 =	sshrl.u32 @!p0 s0, $0x2;
	v17 =	vsel vm15, v19, v17  }
0x107: {  	s17 =	sadd.s32 $0x80, s17;
	s18 =	sadd.s32 $0x20, s18;
	[tilespmem:s0+$0x1A000] =	vst @!p0 v17  }
0x108: {  	s6 =	simm.s32 $0x0;
	s0 =	rddreg [dreg:$0x1b];
	s1 =	simm.s32 $0x1A000  }
0x109: {  	[hbm4b:s0+s6] =	stream.linear.scatter [tilespmem:s1], [sflag:$0x2], $0x200, $0x38;
	[tilespmem:$0x1A200] =	vst v63  }
0x10a: {  	s1 =	simm.s32 $0x2  }
0x10b: {  	_ =	swait.ge [sflag:s1], $0x200  }
0x10c: {  	s2 =	rddreg [dreg:$0x1d]  }
0x10d: {  	s31 =	rddreg [dreg:$0x1c];
	s2 =	sadd.s32 $0x1, s2  }
0x10e: {  	p0 =	sne.s32 s2, s31  }
.Ltmp1:
0x10f: {  	_ = 	snop;
	(pc) =	sbr.rel @p0 .LBB2_1-.Ltmp1, $3  }
0x110: {  	_ =	sdelay $0x1  }
0x111: {  	[sflag:s1] =	ssyncset.done $0x0  }
0x112: {  	[sflag:s1] =	ssyncadd.s32 $0xFFFFFE00  }
0x113: {  	_ =	sfence.sel $0x180000  }
0x114: {  	[bflag:$0x0] =	sbarrier.arrive $0xFFFF  }
0x115: {  	_ =	strace $0x90000047  }
0x116: {  	s0 =	stileid.u32;
	[bflag:$0x2] =	sbarrier.arrive $0xFFFF  }
0x117: {  	p0 =	sne.s32 s0, $0x0;
	s0 =	rddreg [dreg:$0x4]  }
0x118: {  	s0 =	sadd.s32 @!p0 $0x100000, s0  }
0x119: {  	[sflag:s0] =	ssyncadd.tile.s32 @!p0 $0x1;
	_ =	shalt  }
.Lfunc_end2:
_tile_overlayer_lowered:
.L_overlay_start_2:
0x11a: {  	(tag) =	ssettag $0x2  }
0x11b: {  	s0 =	rddreg [dreg:$0x0];
	s2 =	stileid.u32  }
0x11c: {  	s1 =	rddreg [dreg:$0x1];
	p0 =	sne.s32 s2, $0x0  }
0x11d: {  	s3 =	rddreg [dreg:$0x2];
	[bflag:$0x3] =	sbarrier.arrive $0xFFFF;
	s2 =	simm.s32 @!p0 $0x1C02  }
0x11e: {  	[timem:s3], [sflag:s2] =	dma.local @!p0 [hbm:s0], s1  }
0x11f: {  	s0 =	simm.s32 @!p0 $0x2  }
0x120: {  	_ =	swait.ge @!p0 [sflag:s0], s1  }
0x121: {  	s1 =	ssub.s32 @!p0 $0x0, s1;
	[sflag:s0] =	ssyncset.done @!p0 $0x0  }
0x122: {  	[sflag:s0] =	ssyncadd.s32 @!p0 s1  }
0x123: {  	[bflag:$0x3] =	sbarrier.arrive $0xFFFF  }
0x124: {  	_ =	shalt  }

</sc_bundles>
